<compile_context>
chip_gen: v7x
topology: tpu7x:2x2x1
jax: 0.10.2.dev20260603
libtpu: 0.0.44.dev20260713+nightly
codegen_flags: <defaults>
</compile_context>

<pallas_src>
import functools

import jax
import jax.numpy as jnp
from jax import lax
from jax.experimental import pallas as pl
from jax.experimental.pallas import tpu as pltpu
from jax.experimental.pallas import tpu_sc as plsc

NC = 2
NS = 16
NW = NC * NS

S = 10
D = 128
LANES = 16
NDV = D // LANES

C = 32
CS = C * S
IDX_W = 80
GATHERS = CS // IDX_W


def _splat(x):
    return jnp.full((LANES,), x, jnp.int32)


def _body(nodes_hbm, sn_hbm, cf_hbm, table_hbm, eps_hbm, out_hbm,
          nd_v, sn_v, cf_v, eps_v, emb_v, out_v, sem_a, sem_b, sem_o):
    wid = lax.axis_index("s") * NC + lax.axis_index("c")
    rows_per_w = nodes_hbm.shape[0] // NW
    nch = rows_per_w // C
    wrb = wid * rows_per_w

    pltpu.sync_copy(eps_hbm, eps_v)
    eps_vec = eps_v[...]
    lane = lax.iota(jnp.int32, LANES)
    valid = lane < S
    col_ids = jnp.minimum(lane, S - 1)

    def fire_a(c, a):
        rb = wrb + c * C
        pltpu.async_copy(nodes_hbm.at[pl.ds(rb, C)],
                         nd_v.at[pl.ds(a * C, C)], sem_a.at[a])
        pltpu.async_copy(sn_hbm.at[pl.ds(rb * S, CS)],
                         sn_v.at[pl.ds(a * CS, CS)], sem_a.at[a])
        pltpu.async_copy(cf_hbm.at[pl.ds(rb, C)], cf_v.at[a], sem_a.at[a])

    def wait_a(a):
        pltpu.make_async_copy(nodes_hbm.at[pl.ds(0, C)],
                              nd_v.at[pl.ds(a * C, C)], sem_a.at[a]).wait()
        pltpu.make_async_copy(sn_hbm.at[pl.ds(0, CS)],
                              sn_v.at[pl.ds(a * CS, CS)], sem_a.at[a]).wait()
        pltpu.make_async_copy(cf_hbm.at[pl.ds(0, C)], cf_v.at[a],
                              sem_a.at[a]).wait()

    def fire_b(a, p):
        for g in range(GATHERS):
            pltpu.async_copy(
                table_hbm.at[sn_v.at[pl.ds(a * CS + g * IDX_W, IDX_W)]],
                emb_v.at[p, pl.ds(g * IDX_W, IDX_W)], sem_b.at[p])

    def wait_b(p):
        pltpu.make_async_copy(table_hbm.at[pl.ds(0, CS)], emb_v.at[p],
                              sem_b.at[p]).wait()

    def fire_o(c, p):
        pltpu.async_copy(out_v.at[p], out_hbm.at[pl.ds(wrb + c * C, C)],
                         sem_o.at[p])

    def wait_o(p):
        pltpu.make_async_copy(out_v.at[p], out_hbm.at[pl.ds(0, C)],
                              sem_o.at[p]).wait()

    def compute(a, p):
        def row_body(i, carry):
            base = i * S
            sbase = a * CS + base
            sn_vec = sn_v[pl.ds(sbase, LANES)]
            cf_vec = cf_v[a, i]
            node = nd_v[pl.ds(a * C + i, LANES)][0]
            mbool = valid & (sn_vec == node)
            mfv = jnp.where(mbool, jnp.float32(1.0), jnp.float32(0.0))
            wu_vec = cf_vec * (jnp.float32(1.0) - mfv)
            wv_vec = cf_vec * mfv
            acc_u = [jnp.zeros((LANES,), jnp.float32) for _ in range(NDV)]
            acc_v = [jnp.zeros((LANES,), jnp.float32) for _ in range(NDV)]
            cnt = jnp.float32(0.0)
            for j in range(S):
                wu = wu_vec[j]
                wv = wv_vec[j]
                cnt = cnt + mfv[j]
                for d in range(NDV):
                    e = emb_v[p, base + j, pl.ds(d * LANES, LANES)]
                    acc_u[d] = acc_u[d] + wu * e
                    acc_v[d] = acc_v[d] + wv * e
            denom = jnp.full((LANES,), jnp.float32(S), jnp.float32) - cnt
            inv = jnp.full((LANES,), jnp.float32(1.0), jnp.float32) / denom
            for d in range(NDV):
                out_v[p, i, pl.ds(d * LANES, LANES)] = acc_u[d] * inv
                out_v[p, i, pl.ds(D + d * LANES, LANES)] = acc_v[d] * eps_vec
            return carry

        lax.fori_loop(0, C, row_body, 0)

    fire_a(0, 0)
    fire_a(1, 1)
    wait_a(0)
    fire_b(0, 0)

    def chunk_body(c, carry):
        p = c & 1
        a = c % 3

        @pl.when(c + 1 < nch)
        def _():
            wait_a((c + 1) % 3)
            fire_b((c + 1) % 3, 1 - p)

        wait_b(p)

        @pl.when(c + 2 < nch)
        def _():
            fire_a(c + 2, (c + 2) % 3)

        @pl.when(c >= 2)
        def _():
            wait_o(p)

        compute(a, p)
        fire_o(c, p)
        return carry

    lax.fori_loop(0, nch, chunk_body, 0)
    wait_o(0)
    wait_o(1)


def kernel(nodes, samp_neighs, structural_coeff, features_table, eps):
    B, s = samp_neighs.shape
    N, d = features_table.shape
    assert s == S and d == D

    sn_flat = samp_neighs.astype(jnp.int32).reshape(-1)
    cf_flat = jnp.pad(structural_coeff, ((0, 0), (0, LANES - S)))
    nodes32 = nodes.astype(jnp.int32)
    eps16 = jnp.full((LANES,), eps[0], dtype=jnp.float32)

    mesh = plsc.VectorSubcoreMesh(core_axis_name="c", subcore_axis_name="s",
                                  num_cores=NC, num_subcores=NS)
    run = functools.partial(
        pl.kernel,
        out_type=jax.ShapeDtypeStruct((B, 2 * D), jnp.float32),
        mesh=mesh,
        scratch_types=[
            pltpu.VMEM((3 * C + LANES,), jnp.int32),
            pltpu.VMEM((3 * CS + LANES,), jnp.int32),
            pltpu.VMEM((3, C, LANES), jnp.float32),
            pltpu.VMEM((LANES,), jnp.float32),
            pltpu.VMEM((2, CS, D), jnp.float32),
            pltpu.VMEM((2, C, 2 * D), jnp.float32),
            pltpu.SemaphoreType.DMA((3,)),
            pltpu.SemaphoreType.DMA((2,)),
            pltpu.SemaphoreType.DMA((2,)),
        ],
    )(_body)
    return run(nodes32, sn_flat, cf_flat, features_table, eps16)

# --- scband reference (transcript-rebuilt; emitter-appended) ---
"""Pipeline reference for scband-mean-aggregator-76012331204949 (READ-ONLY COPY).

The authoritative reference and input builder live on the scoring server;
editing this copy changes nothing except your own understanding.
"""

import jax, jax.numpy as jnp
import numpy as np

N = 50000   # num nodes (features table rows)
D = 128     # feature dim
B = 16384   # batch of target nodes
S = 10      # num_sample neighbors per node


def setup_inputs(seed: int = 0) -> dict:
    key = jax.random.key(seed)
    ks = jax.random.split(key, 4)
    nodes = jax.random.randint(ks[0], (B,), 0, N)
    samp_neighs = jax.random.randint(ks[1], (B, S), 0, N)
    # pre-gathered structural coefficients normalized_adj[nodes[i], samp_neighs[i]]
    structural_coeff = jax.random.uniform(ks[2], (B, S), dtype=jnp.float32)
    # learned: self.features embedding table (embed_matrix = features(full_nodes))
    features_table = jax.random.normal(ks[3], (N, D), dtype=jnp.float32)
    # learned: eps parameter, reset_parameters -> constant 0.0397/sqrt(1)
    eps = jnp.full((1,), 0.0397, dtype=jnp.float32)
    return {"nodes": nodes, "samp_neighs": samp_neighs,
            "structural_coeff": structural_coeff,
            "features_table": features_table, "eps": eps}


def reference(nodes, samp_neighs, structural_coeff, features_table, eps):
    # embed_matrix = self.features(full_nodes)  (identity gather over all nodes)
    # gather neighbor embeddings: embed_matrix[j] for j in sample_neigh_list
    emb_neigh = jnp.take(features_table, samp_neighs, axis=0)        # [B, S, D]
    # detect self-loop: nodes[i] in sample_neigh_list
    self_mask = (samp_neighs == nodes[:, None])                      # [B, S]
    mf = self_mask.astype(jnp.float32)
    # h_v = eps * structural_coeff[index_of_self] * embed_matrix[nodes[i]] (else zeros)
    coeff_self = jnp.sum(structural_coeff * mf, axis=1)              # [B]
    has_self = jnp.any(self_mask, axis=1).astype(jnp.float32)        # [B]
    self_emb = jnp.take(features_table, nodes, axis=0)               # [B, D]
    h_v = eps[0] * coeff_self[:, None] * self_emb * has_self[:, None]
    # h_u = (1/num_neigh) * sum_{j != self} coeff[j] * embed_matrix[j]
    coeff_masked = structural_coeff * (1.0 - mf)                     # self removed
    h_u = jnp.einsum('bs,bsd->bd', coeff_masked, emb_neigh)          # [B, D]
    num_neigh = jnp.float32(S) - jnp.sum(mf, axis=1)                 # S or S-1
    h_u = h_u / num_neigh[:, None]
    # emb = torch.cat((h_u, h_v), 0) per node -> stacked [B, 2D]
    return jnp.concatenate([h_u, h_v], axis=1)

if __name__ == "__main__":
    import jax
    _d = setup_inputs()
    print(jax.jit(kernel)(*tuple(_d.values())))

</pallas_src>

<mosaic_0001>
#map = affine_map<(d0, d1) -> (0)>
#map1 = affine_map<(d0, d1) -> (0, 0)>
module attributes {stable_mosaic.version = 14 : i64} {
  func.func @_body(%arg0: i32, %arg1: i32, %arg2: memref<16384xi32, #tpu.memory_space<hbm>>, %arg3: memref<163840xi32, #tpu.memory_space<hbm>>, %arg4: memref<16384x16xf32, #tpu.memory_space<hbm>>, %arg5: memref<50000x128xf32, #tpu.memory_space<hbm>>, %arg6: memref<16xf32, #tpu.memory_space<hbm>>, %arg7: memref<16384x256xf32, #tpu.memory_space<hbm>>, %arg8: memref<112xi32, #tpu.memory_space<vmem>>, %arg9: memref<976xi32, #tpu.memory_space<vmem>>, %arg10: memref<3x32x16xf32, #tpu.memory_space<vmem>>, %arg11: memref<16xf32, #tpu.memory_space<vmem>>, %arg12: memref<2x320x128xf32, #tpu.memory_space<vmem>>, %arg13: memref<2x32x256xf32, #tpu.memory_space<vmem>>, %arg14: memref<3x!tpu.dma_semaphore, #tpu.memory_space<semaphore_mem>>, %arg15: memref<2x!tpu.dma_semaphore, #tpu.memory_space<semaphore_mem>>, %arg16: memref<2x!tpu.dma_semaphore, #tpu.memory_space<semaphore_mem>>) attributes {dimension_semantics = [#tpu.dimension_semantics<core_parallel>, #tpu.dimension_semantics<subcore_parallel>], iteration_bounds = array<i64: 2, 16>, scalar_prefetch = 0 : i64, scratch_operands = 9 : i64, tpu.core_type = #tpu.core_type<sc_vector_subcore>, window_params = [{transform_indices = #map}, {transform_indices = #map}, {transform_indices = #map1}, {transform_indices = #map1}, {transform_indices = #map}, {transform_indices = #map1}]} {
    %mul3A = arith.constant 2 : i32
    %mul3A_0 = arith.muli %arg1, %mul3A : i32
    %add3A = arith.addi %mul3A_0, %arg0 : i32
    %mul3A_1 = arith.constant 512 : i32
    %mul3A_2 = arith.muli %add3A, %mul3A_1 : i32
    "tpu.region"() ({
      %run_scoped3A = tpu.sem_alloc : memref<!tpu.dma_semaphore, #tpu.memory_space<semaphore_mem>>
      tpu.enqueue_dma source(%arg6 : memref<16xf32, #tpu.memory_space<hbm>>) target(%arg11 : memref<16xf32, #tpu.memory_space<vmem>>) target_semaphore(%run_scoped3A : memref<!tpu.dma_semaphore, #tpu.memory_space<semaphore_mem>>)
      tpu.wait_dma2 semaphore(%run_scoped3A : memref<!tpu.dma_semaphore, #tpu.memory_space<semaphore_mem>>) src(%arg6 : memref<16xf32, #tpu.memory_space<hbm>>) dst(%arg11 : memref<16xf32, #tpu.memory_space<vmem>>)
      tpu.yield
    }) : () -> ()
    %get3A = arith.constant 0 : index
    %get3A_3 = tpu.vector_load %arg11[%get3A] {strides = array<i32>} : memref<16xf32, #tpu.memory_space<vmem>>, vector<16xf32>,
    %get3A_4 = vector.shape_cast %get3A_3 : vector<16xf32> to vector<16xf32>
    %iota3A = tpu.iota {dimensions = array<i32: 0>} : vector<16xi32>
    %lt3A = arith.constant 10 : i32
    %lt3A_5 = vector.broadcast %lt3A : i32 to vector<16xi32>
    %lt3A_6 = arith.cmpi slt, %iota3A, %lt3A_5 : vector<16xi32>
    %min3A = arith.constant 9 : i32
    %min3A_7 = vector.broadcast %min3A : i32 to vector<16xi32>
    %min3A_8 = arith.minsi %iota3A, %min3A_7 : vector<16xi32>
    %add3A_9 = arith.constant 0 : i32
    %add3A_10 = arith.addi %mul3A_2, %add3A_9 : i32
    %dma_start3A = arith.constant 0 : i32
    %dma_start3A_11 = arith.constant 0 : i32
    %dma_start3A_12 = tpu.memref_slice %arg8[%dma_start3A_11] : memref<112xi32, #tpu.memory_space<vmem>> -> memref<32xi32, #tpu.memory_space<vmem>>
    %dma_start3A_13 = tpu.memref_slice %arg2[%add3A_10] : memref<16384xi32, #tpu.memory_space<hbm>> -> memref<32xi32, #tpu.memory_space<hbm>>
    %dma_start3A_14 = tpu.memref_slice %arg14[%dma_start3A] : memref<3x!tpu.dma_semaphore, #tpu.memory_space<semaphore_mem>> -> memref<1x!tpu.dma_semaphore, #tpu.memory_space<semaphore_mem>>
    %dma_start3A_15 = tpu.memref_squeeze %dma_start3A_14 : memref<1x!tpu.dma_semaphore, #tpu.memory_space<semaphore_mem>> -> memref<!tpu.dma_semaphore, #tpu.memory_space<semaphore_mem>>
    %dma_start3A_16 = arith.constant 0 : i32
    %dma_start3A_17 = tpu.memref_slice %arg8[%dma_start3A_16] : memref<112xi32, #tpu.memory_space<vmem>> -> memref<32xi32, #tpu.memory_space<vmem>>
    %dma_start3A_18 = tpu.memref_slice %arg2[%add3A_10] : memref<16384xi32, #tpu.memory_space<hbm>> -> memref<32xi32, #tpu.memory_space<hbm>>
    tpu.enqueue_dma source(%dma_start3A_18 : memref<32xi32, #tpu.memory_space<hbm>>) target(%dma_start3A_17 : memref<32xi32, #tpu.memory_space<vmem>>) target_semaphore(%dma_start3A_15 : memref<!tpu.dma_semaphore, #tpu.memory_space<semaphore_mem>>)
    %mul3A_19 = arith.constant 10 : i32
    %mul3A_20 = arith.muli %add3A_10, %mul3A_19 : i32
    %dma_start3A_21 = arith.constant 0 : i32
    %dma_start3A_22 = arith.constant 0 : i32
    %dma_start3A_23 = tpu.memref_slice %arg9[%dma_start3A_22] : memref<976xi32, #tpu.memory_space<vmem>> -> memref<320xi32, #tpu.memory_space<vmem>>
    %dma_start3A_24 = tpu.memref_slice %arg3[%mul3A_20] : memref<163840xi32, #tpu.memory_space<hbm>> -> memref<320xi32, #tpu.memory_space<hbm>>
    %dma_start3A_25 = tpu.memref_slice %arg14[%dma_start3A_21] : memref<3x!tpu.dma_semaphore, #tpu.memory_space<semaphore_mem>> -> memref<1x!tpu.dma_semaphore, #tpu.memory_space<semaphore_mem>>
    %dma_start3A_26 = tpu.memref_squeeze %dma_start3A_25 : memref<1x!tpu.dma_semaphore, #tpu.memory_space<semaphore_mem>> -> memref<!tpu.dma_semaphore, #tpu.memory_space<semaphore_mem>>
    %dma_start3A_27 = arith.constant 0 : i32
    %dma_start3A_28 = tpu.memref_slice %arg9[%dma_start3A_27] : memref<976xi32, #tpu.memory_space<vmem>> -> memref<320xi32, #tpu.memory_space<vmem>>
    %dma_start3A_29 = tpu.memref_slice %arg3[%mul3A_20] : memref<163840xi32, #tpu.memory_space<hbm>> -> memref<320xi32, #tpu.memory_space<hbm>>
    tpu.enqueue_dma source(%dma_start3A_29 : memref<320xi32, #tpu.memory_space<hbm>>) target(%dma_start3A_28 : memref<320xi32, #tpu.memory_space<vmem>>) target_semaphore(%dma_start3A_26 : memref<!tpu.dma_semaphore, #tpu.memory_space<semaphore_mem>>)
    %dma_start3A_30 = arith.constant 0 : i32
    %dma_start3A_31 = arith.constant 0 : i32
    %dma_start3A_32 = arith.constant 0 : i32
    %dma_start3A_33 = arith.constant 0 : i32
    %dma_start3A_34 = tpu.memref_slice %arg10[%dma_start3A_30, %dma_start3A_32, %dma_start3A_33] : memref<3x32x16xf32, #tpu.memory_space<vmem>> -> memref<1x32x16xf32, #tpu.memory_space<vmem>>
    %dma_start3A_35 = tpu.memref_squeeze %dma_start3A_34 : memref<1x32x16xf32, #tpu.memory_space<vmem>> -> memref<32x16xf32, #tpu.memory_space<vmem>>
    %dma_start3A_36 = arith.constant 0 : i32
    %dma_start3A_37 = tpu.memref_slice %arg4[%add3A_10, %dma_start3A_36] : memref<16384x16xf32, #tpu.memory_space<hbm>> -> memref<32x16xf32, #tpu.memory_space<hbm>>
    %dma_start3A_38 = tpu.memref_slice %arg14[%dma_start3A_31] : memref<3x!tpu.dma_semaphore, #tpu.memory_space<semaphore_mem>> -> memref<1x!tpu.dma_semaphore, #tpu.memory_space<semaphore_mem>>
    %dma_start3A_39 = tpu.memref_squeeze %dma_start3A_38 : memref<1x!tpu.dma_semaphore, #tpu.memory_space<semaphore_mem>> -> memref<!tpu.dma_semaphore, #tpu.memory_space<semaphore_mem>>
    %dma_start3A_40 = arith.constant 0 : i32
    %dma_start3A_41 = arith.constant 0 : i32
    %dma_start3A_42 = tpu.memref_slice %arg10[%dma_start3A_30, %dma_start3A_40, %dma_start3A_41] : memref<3x32x16xf32, #tpu.memory_space<vmem>> -> memref<1x32x16xf32, #tpu.memory_space<vmem>>
    %dma_start3A_43 = tpu.memref_squeeze %dma_start3A_42 : memref<1x32x16xf32, #tpu.memory_space<vmem>> -> memref<32x16xf32, #tpu.memory_space<vmem>>
    %dma_start3A_44 = arith.constant 0 : i32
    %dma_start3A_45 = tpu.memref_slice %arg4[%add3A_10, %dma_start3A_44] : memref<16384x16xf32, #tpu.memory_space<hbm>> -> memref<32x16xf32, #tpu.memory_space<hbm>>
    tpu.enqueue_dma source(%dma_start3A_45 : memref<32x16xf32, #tpu.memory_space<hbm>>) target(%dma_start3A_43 : memref<32x16xf32, #tpu.memory_space<vmem>>) target_semaphore(%dma_start3A_39 : memref<!tpu.dma_semaphore, #tpu.memory_space<semaphore_mem>>)
    %add3A_46 = arith.constant 32 : i32
    %add3A_47 = arith.addi %mul3A_2, %add3A_46 : i32
    %dma_start3A_48 = arith.constant 1 : i32
    %dma_start3A_49 = arith.constant 32 : i32
    %dma_start3A_50 = tpu.memref_slice %arg8[%dma_start3A_49] : memref<112xi32, #tpu.memory_space<vmem>> -> memref<32xi32, #tpu.memory_space<vmem>>
    %dma_start3A_51 = tpu.memref_slice %arg2[%add3A_47] : memref<16384xi32, #tpu.memory_space<hbm>> -> memref<32xi32, #tpu.memory_space<hbm>>
    %dma_start3A_52 = tpu.memref_slice %arg14[%dma_start3A_48] : memref<3x!tpu.dma_semaphore, #tpu.memory_space<semaphore_mem>> -> memref<1x!tpu.dma_semaphore, #tpu.memory_space<semaphore_mem>>
    %dma_start3A_53 = tpu.memref_squeeze %dma_start3A_52 : memref<1x!tpu.dma_semaphore, #tpu.memory_space<semaphore_mem>> -> memref<!tpu.dma_semaphore, #tpu.memory_space<semaphore_mem>>
    %dma_start3A_54 = arith.constant 32 : i32
    %dma_start3A_55 = tpu.memref_slice %arg8[%dma_start3A_54] : memref<112xi32, #tpu.memory_space<vmem>> -> memref<32xi32, #tpu.memory_space<vmem>>
    %dma_start3A_56 = tpu.memref_slice %arg2[%add3A_47] : memref<16384xi32, #tpu.memory_space<hbm>> -> memref<32xi32, #tpu.memory_space<hbm>>
    tpu.enqueue_dma source(%dma_start3A_56 : memref<32xi32, #tpu.memory_space<hbm>>) target(%dma_start3A_55 : memref<32xi32, #tpu.memory_space<vmem>>) target_semaphore(%dma_start3A_53 : memref<!tpu.dma_semaphore, #tpu.memory_space<semaphore_mem>>)
    %mul3A_57 = arith.constant 10 : i32
    %mul3A_58 = arith.muli %add3A_47, %mul3A_57 : i32
    %dma_start3A_59 = arith.constant 1 : i32
    %dma_start3A_60 = arith.constant 320 : i32
    %dma_start3A_61 = tpu.memref_slice %arg9[%dma_start3A_60] : memref<976xi32, #tpu.memory_space<vmem>> -> memref<320xi32, #tpu.memory_space<vmem>>
    %dma_start3A_62 = tpu.memref_slice %arg3[%mul3A_58] : memref<163840xi32, #tpu.memory_space<hbm>> -> memref<320xi32, #tpu.memory_space<hbm>>
    %dma_start3A_63 = tpu.memref_slice %arg14[%dma_start3A_59] : memref<3x!tpu.dma_semaphore, #tpu.memory_space<semaphore_mem>> -> memref<1x!tpu.dma_semaphore, #tpu.memory_space<semaphore_mem>>
    %dma_start3A_64 = tpu.memref_squeeze %dma_start3A_63 : memref<1x!tpu.dma_semaphore, #tpu.memory_space<semaphore_mem>> -> memref<!tpu.dma_semaphore, #tpu.memory_space<semaphore_mem>>
    %dma_start3A_65 = arith.constant 320 : i32
    %dma_start3A_66 = tpu.memref_slice %arg9[%dma_start3A_65] : memref<976xi32, #tpu.memory_space<vmem>> -> memref<320xi32, #tpu.memory_space<vmem>>
    %dma_start3A_67 = tpu.memref_slice %arg3[%mul3A_58] : memref<163840xi32, #tpu.memory_space<hbm>> -> memref<320xi32, #tpu.memory_space<hbm>>
    tpu.enqueue_dma source(%dma_start3A_67 : memref<320xi32, #tpu.memory_space<hbm>>) target(%dma_start3A_66 : memref<320xi32, #tpu.memory_space<vmem>>) target_semaphore(%dma_start3A_64 : memref<!tpu.dma_semaphore, #tpu.memory_space<semaphore_mem>>)
    %dma_start3A_68 = arith.constant 1 : i32
    %dma_start3A_69 = arith.constant 1 : i32
    %dma_start3A_70 = arith.constant 0 : i32
    %dma_start3A_71 = arith.constant 0 : i32
    %dma_start3A_72 = tpu.memref_slice %arg10[%dma_start3A_68, %dma_start3A_70, %dma_start3A_71] : memref<3x32x16xf32, #tpu.memory_space<vmem>> -> memref<1x32x16xf32, #tpu.memory_space<vmem>>
    %dma_start3A_73 = tpu.memref_squeeze %dma_start3A_72 : memref<1x32x16xf32, #tpu.memory_space<vmem>> -> memref<32x16xf32, #tpu.memory_space<vmem>>
    %dma_start3A_74 = arith.constant 0 : i32
    %dma_start3A_75 = tpu.memref_slice %arg4[%add3A_47, %dma_start3A_74] : memref<16384x16xf32, #tpu.memory_space<hbm>> -> memref<32x16xf32, #tpu.memory_space<hbm>>
    %dma_start3A_76 = tpu.memref_slice %arg14[%dma_start3A_69] : memref<3x!tpu.dma_semaphore, #tpu.memory_space<semaphore_mem>> -> memref<1x!tpu.dma_semaphore, #tpu.memory_space<semaphore_mem>>
    %dma_start3A_77 = tpu.memref_squeeze %dma_start3A_76 : memref<1x!tpu.dma_semaphore, #tpu.memory_space<semaphore_mem>> -> memref<!tpu.dma_semaphore, #tpu.memory_space<semaphore_mem>>
    %dma_start3A_78 = arith.constant 0 : i32
    %dma_start3A_79 = arith.constant 0 : i32
    %dma_start3A_80 = tpu.memref_slice %arg10[%dma_start3A_68, %dma_start3A_78, %dma_start3A_79] : memref<3x32x16xf32, #tpu.memory_space<vmem>> -> memref<1x32x16xf32, #tpu.memory_space<vmem>>
    %dma_start3A_81 = tpu.memref_squeeze %dma_start3A_80 : memref<1x32x16xf32, #tpu.memory_space<vmem>> -> memref<32x16xf32, #tpu.memory_space<vmem>>
    %dma_start3A_82 = arith.constant 0 : i32
    %dma_start3A_83 = tpu.memref_slice %arg4[%add3A_47, %dma_start3A_82] : memref<16384x16xf32, #tpu.memory_space<hbm>> -> memref<32x16xf32, #tpu.memory_space<hbm>>
    tpu.enqueue_dma source(%dma_start3A_83 : memref<32x16xf32, #tpu.memory_space<hbm>>) target(%dma_start3A_81 : memref<32x16xf32, #tpu.memory_space<vmem>>) target_semaphore(%dma_start3A_77 : memref<!tpu.dma_semaphore, #tpu.memory_space<semaphore_mem>>)
    %dma_wait3A = arith.constant 0 : i32
    %dma_wait3A_84 = arith.constant 0 : i32
    %dma_wait3A_85 = tpu.memref_slice %arg8[%dma_wait3A_84] : memref<112xi32, #tpu.memory_space<vmem>> -> memref<32xi32, #tpu.memory_space<vmem>>
    %dma_wait3A_86 = arith.constant 0 : i32
    %dma_wait3A_87 = tpu.memref_slice %arg2[%dma_wait3A_86] : memref<16384xi32, #tpu.memory_space<hbm>> -> memref<32xi32, #tpu.memory_space<hbm>>
    %dma_wait3A_88 = tpu.memref_slice %arg14[%dma_wait3A] : memref<3x!tpu.dma_semaphore, #tpu.memory_space<semaphore_mem>> -> memref<1x!tpu.dma_semaphore, #tpu.memory_space<semaphore_mem>>
    %dma_wait3A_89 = tpu.memref_squeeze %dma_wait3A_88 : memref<1x!tpu.dma_semaphore, #tpu.memory_space<semaphore_mem>> -> memref<!tpu.dma_semaphore, #tpu.memory_space<semaphore_mem>>
    %dma_wait3A_90 = arith.constant 0 : i32
    %dma_wait3A_91 = tpu.memref_slice %arg8[%dma_wait3A_90] : memref<112xi32, #tpu.memory_space<vmem>> -> memref<32xi32, #tpu.memory_space<vmem>>
    %dma_wait3A_92 = arith.constant 0 : i32
    %dma_wait3A_93 = tpu.memref_slice %arg2[%dma_wait3A_92] : memref<16384xi32, #tpu.memory_space<hbm>> -> memref<32xi32, #tpu.memory_space<hbm>>
    tpu.wait_dma2 semaphore(%dma_wait3A_89 : memref<!tpu.dma_semaphore, #tpu.memory_space<semaphore_mem>>) src(%dma_wait3A_93 : memref<32xi32, #tpu.memory_space<hbm>>) dst(%dma_wait3A_91 : memref<32xi32, #tpu.memory_space<vmem>>)
    %dma_wait3A_94 = arith.constant 0 : i32
    %dma_wait3A_95 = arith.constant 0 : i32
    %dma_wait3A_96 = tpu.memref_slice %arg9[%dma_wait3A_95] : memref<976xi32, #tpu.memory_space<vmem>> -> memref<320xi32, #tpu.memory_space<vmem>>
    %dma_wait3A_97 = arith.constant 0 : i32
    %dma_wait3A_98 = tpu.memref_slice %arg3[%dma_wait3A_97] : memref<163840xi32, #tpu.memory_space<hbm>> -> memref<320xi32, #tpu.memory_space<hbm>>
    %dma_wait3A_99 = tpu.memref_slice %arg14[%dma_wait3A_94] : memref<3x!tpu.dma_semaphore, #tpu.memory_space<semaphore_mem>> -> memref<1x!tpu.dma_semaphore, #tpu.memory_space<semaphore_mem>>
    %dma_wait3A_100 = tpu.memref_squeeze %dma_wait3A_99 : memref<1x!tpu.dma_semaphore, #tpu.memory_space<semaphore_mem>> -> memref<!tpu.dma_semaphore, #tpu.memory_space<semaphore_mem>>
    %dma_wait3A_101 = arith.constant 0 : i32
    %dma_wait3A_102 = tpu.memref_slice %arg9[%dma_wait3A_101] : memref<976xi32, #tpu.memory_space<vmem>> -> memref<320xi32, #tpu.memory_space<vmem>>
    %dma_wait3A_103 = arith.constant 0 : i32
    %dma_wait3A_104 = tpu.memref_slice %arg3[%dma_wait3A_103] : memref<163840xi32, #tpu.memory_space<hbm>> -> memref<320xi32, #tpu.memory_space<hbm>>
    tpu.wait_dma2 semaphore(%dma_wait3A_100 : memref<!tpu.dma_semaphore, #tpu.memory_space<semaphore_mem>>) src(%dma_wait3A_104 : memref<320xi32, #tpu.memory_space<hbm>>) dst(%dma_wait3A_102 : memref<320xi32, #tpu.memory_space<vmem>>)
    %dma_wait3A_105 = arith.constant 0 : i32
    %dma_wait3A_106 = arith.constant 0 : i32
    %dma_wait3A_107 = arith.constant 0 : i32
    %dma_wait3A_108 = arith.constant 0 : i32
    %dma_wait3A_109 = tpu.memref_slice %arg10[%dma_wait3A_105, %dma_wait3A_107, %dma_wait3A_108] : memref<3x32x16xf32, #tpu.memory_space<vmem>> -> memref<1x32x16xf32, #tpu.memory_space<vmem>>
    %dma_wait3A_110 = tpu.memref_squeeze %dma_wait3A_109 : memref<1x32x16xf32, #tpu.memory_space<vmem>> -> memref<32x16xf32, #tpu.memory_space<vmem>>
    %dma_wait3A_111 = arith.constant 0 : i32
    %dma_wait3A_112 = arith.constant 0 : i32
    %dma_wait3A_113 = tpu.memref_slice %arg4[%dma_wait3A_111, %dma_wait3A_112] : memref<16384x16xf32, #tpu.memory_space<hbm>> -> memref<32x16xf32, #tpu.memory_space<hbm>>
    %dma_wait3A_114 = tpu.memref_slice %arg14[%dma_wait3A_106] : memref<3x!tpu.dma_semaphore, #tpu.memory_space<semaphore_mem>> -> memref<1x!tpu.dma_semaphore, #tpu.memory_space<semaphore_mem>>
    %dma_wait3A_115 = tpu.memref_squeeze %dma_wait3A_114 : memref<1x!tpu.dma_semaphore, #tpu.memory_space<semaphore_mem>> -> memref<!tpu.dma_semaphore, #tpu.memory_space<semaphore_mem>>
    %dma_wait3A_116 = arith.constant 0 : i32
    %dma_wait3A_117 = arith.constant 0 : i32
    %dma_wait3A_118 = tpu.memref_slice %arg10[%dma_wait3A_105, %dma_wait3A_116, %dma_wait3A_117] : memref<3x32x16xf32, #tpu.memory_space<vmem>> -> memref<1x32x16xf32, #tpu.memory_space<vmem>>
    %dma_wait3A_119 = tpu.memref_squeeze %dma_wait3A_118 : memref<1x32x16xf32, #tpu.memory_space<vmem>> -> memref<32x16xf32, #tpu.memory_space<vmem>>
    %dma_wait3A_120 = arith.constant 0 : i32
    %dma_wait3A_121 = arith.constant 0 : i32
    %dma_wait3A_122 = tpu.memref_slice %arg4[%dma_wait3A_120, %dma_wait3A_121] : memref<16384x16xf32, #tpu.memory_space<hbm>> -> memref<32x16xf32, #tpu.memory_space<hbm>>
    tpu.wait_dma2 semaphore(%dma_wait3A_115 : memref<!tpu.dma_semaphore, #tpu.memory_space<semaphore_mem>>) src(%dma_wait3A_122 : memref<32x16xf32, #tpu.memory_space<hbm>>) dst(%dma_wait3A_119 : memref<32x16xf32, #tpu.memory_space<vmem>>)
    %dma_start3A_123 = arith.constant 0 : i32
    %dma_start3A_124 = arith.constant 0 : i32
    %dma_start3A_125 = arith.constant 0 : i32
    %dma_start3A_126 = arith.constant 0 : i32
    %dma_start3A_127 = tpu.memref_slice %arg12[%dma_start3A_123, %dma_start3A_125, %dma_start3A_126] : memref<2x320x128xf32, #tpu.memory_space<vmem>> -> memref<1x80x128xf32, #tpu.memory_space<vmem>>
    %dma_start3A_128 = tpu.memref_squeeze %dma_start3A_127 : memref<1x80x128xf32, #tpu.memory_space<vmem>> -> memref<80x128xf32, #tpu.memory_space<vmem>>
    %dma_start3A_129 = arith.constant 0 : i32
    %dma_start3A_130 = tpu.memref_slice %arg9[%dma_start3A_129] : memref<976xi32, #tpu.memory_space<vmem>> -> memref<80xi32, #tpu.memory_space<vmem>>
    %dma_start3A_131 = arith.constant 0 : i32
    %dma_start3A_132 = arith.constant 0 : i32
    %dma_start3A_133 = tpu.memref_slice %arg5[%dma_start3A_131, %dma_start3A_132] : memref<50000x128xf32, #tpu.memory_space<hbm>> -> memref<50000x128xf32, #tpu.memory_space<hbm>>
    %dma_start3A_134 = tpu.memref_slice %arg15[%dma_start3A_124] : memref<2x!tpu.dma_semaphore, #tpu.memory_space<semaphore_mem>> -> memref<1x!tpu.dma_semaphore, #tpu.memory_space<semaphore_mem>>
    %dma_start3A_135 = tpu.memref_squeeze %dma_start3A_134 : memref<1x!tpu.dma_semaphore, #tpu.memory_space<semaphore_mem>> -> memref<!tpu.dma_semaphore, #tpu.memory_space<semaphore_mem>>
    tpu.enqueue_indirect_dma source(%dma_start3A_133 : memref<50000x128xf32, #tpu.memory_space<hbm>>) target(%dma_start3A_128 : memref<80x128xf32, #tpu.memory_space<vmem>>) offsets(%dma_start3A_130 : memref<80xi32, #tpu.memory_space<vmem>>) semaphore(%dma_start3A_135 : memref<!tpu.dma_semaphore, #tpu.memory_space<semaphore_mem>>)
    %dma_start3A_136 = arith.constant 0 : i32
    %dma_start3A_137 = arith.constant 0 : i32
    %dma_start3A_138 = arith.constant 80 : i32
    %dma_start3A_139 = arith.constant 0 : i32
    %dma_start3A_140 = tpu.memref_slice %arg12[%dma_start3A_136, %dma_start3A_138, %dma_start3A_139] : memref<2x320x128xf32, #tpu.memory_space<vmem>> -> memref<1x80x128xf32, #tpu.memory_space<vmem>>
    %dma_start3A_141 = tpu.memref_squeeze %dma_start3A_140 : memref<1x80x128xf32, #tpu.memory_space<vmem>> -> memref<80x128xf32, #tpu.memory_space<vmem>>
    %dma_start3A_142 = arith.constant 80 : i32
    %dma_start3A_143 = tpu.memref_slice %arg9[%dma_start3A_142] : memref<976xi32, #tpu.memory_space<vmem>> -> memref<80xi32, #tpu.memory_space<vmem>>
    %dma_start3A_144 = arith.constant 0 : i32
    %dma_start3A_145 = arith.constant 0 : i32
    %dma_start3A_146 = tpu.memref_slice %arg5[%dma_start3A_144, %dma_start3A_145] : memref<50000x128xf32, #tpu.memory_space<hbm>> -> memref<50000x128xf32, #tpu.memory_space<hbm>>
    %dma_start3A_147 = tpu.memref_slice %arg15[%dma_start3A_137] : memref<2x!tpu.dma_semaphore, #tpu.memory_space<semaphore_mem>> -> memref<1x!tpu.dma_semaphore, #tpu.memory_space<semaphore_mem>>
    %dma_start3A_148 = tpu.memref_squeeze %dma_start3A_147 : memref<1x!tpu.dma_semaphore, #tpu.memory_space<semaphore_mem>> -> memref<!tpu.dma_semaphore, #tpu.memory_space<semaphore_mem>>
    tpu.enqueue_indirect_dma source(%dma_start3A_146 : memref<50000x128xf32, #tpu.memory_space<hbm>>) target(%dma_start3A_141 : memref<80x128xf32, #tpu.memory_space<vmem>>) offsets(%dma_start3A_143 : memref<80xi32, #tpu.memory_space<vmem>>) semaphore(%dma_start3A_148 : memref<!tpu.dma_semaphore, #tpu.memory_space<semaphore_mem>>)
    %dma_start3A_149 = arith.constant 0 : i32
    %dma_start3A_150 = arith.constant 0 : i32
    %dma_start3A_151 = arith.constant 160 : i32
    %dma_start3A_152 = arith.constant 0 : i32
    %dma_start3A_153 = tpu.memref_slice %arg12[%dma_start3A_149, %dma_start3A_151, %dma_start3A_152] : memref<2x320x128xf32, #tpu.memory_space<vmem>> -> memref<1x80x128xf32, #tpu.memory_space<vmem>>
    %dma_start3A_154 = tpu.memref_squeeze %dma_start3A_153 : memref<1x80x128xf32, #tpu.memory_space<vmem>> -> memref<80x128xf32, #tpu.memory_space<vmem>>
    %dma_start3A_155 = arith.constant 160 : i32
    %dma_start3A_156 = tpu.memref_slice %arg9[%dma_start3A_155] : memref<976xi32, #tpu.memory_space<vmem>> -> memref<80xi32, #tpu.memory_space<vmem>>
    %dma_start3A_157 = arith.constant 0 : i32
    %dma_start3A_158 = arith.constant 0 : i32
    %dma_start3A_159 = tpu.memref_slice %arg5[%dma_start3A_157, %dma_start3A_158] : memref<50000x128xf32, #tpu.memory_space<hbm>> -> memref<50000x128xf32, #tpu.memory_space<hbm>>
    %dma_start3A_160 = tpu.memref_slice %arg15[%dma_start3A_150] : memref<2x!tpu.dma_semaphore, #tpu.memory_space<semaphore_mem>> -> memref<1x!tpu.dma_semaphore, #tpu.memory_space<semaphore_mem>>
    %dma_start3A_161 = tpu.memref_squeeze %dma_start3A_160 : memref<1x!tpu.dma_semaphore, #tpu.memory_space<semaphore_mem>> -> memref<!tpu.dma_semaphore, #tpu.memory_space<semaphore_mem>>
    tpu.enqueue_indirect_dma source(%dma_start3A_159 : memref<50000x128xf32, #tpu.memory_space<hbm>>) target(%dma_start3A_154 : memref<80x128xf32, #tpu.memory_space<vmem>>) offsets(%dma_start3A_156 : memref<80xi32, #tpu.memory_space<vmem>>) semaphore(%dma_start3A_161 : memref<!tpu.dma_semaphore, #tpu.memory_space<semaphore_mem>>)
    %dma_start3A_162 = arith.constant 0 : i32
    %dma_start3A_163 = arith.constant 0 : i32
    %dma_start3A_164 = arith.constant 240 : i32
    %dma_start3A_165 = arith.constant 0 : i32
    %dma_start3A_166 = tpu.memref_slice %arg12[%dma_start3A_162, %dma_start3A_164, %dma_start3A_165] : memref<2x320x128xf32, #tpu.memory_space<vmem>> -> memref<1x80x128xf32, #tpu.memory_space<vmem>>
    %dma_start3A_167 = tpu.memref_squeeze %dma_start3A_166 : memref<1x80x128xf32, #tpu.memory_space<vmem>> -> memref<80x128xf32, #tpu.memory_space<vmem>>
    %dma_start3A_168 = arith.constant 240 : i32
    %dma_start3A_169 = tpu.memref_slice %arg9[%dma_start3A_168] : memref<976xi32, #tpu.memory_space<vmem>> -> memref<80xi32, #tpu.memory_space<vmem>>
    %dma_start3A_170 = arith.constant 0 : i32
    %dma_start3A_171 = arith.constant 0 : i32
    %dma_start3A_172 = tpu.memref_slice %arg5[%dma_start3A_170, %dma_start3A_171] : memref<50000x128xf32, #tpu.memory_space<hbm>> -> memref<50000x128xf32, #tpu.memory_space<hbm>>
    %dma_start3A_173 = tpu.memref_slice %arg15[%dma_start3A_163] : memref<2x!tpu.dma_semaphore, #tpu.memory_space<semaphore_mem>> -> memref<1x!tpu.dma_semaphore, #tpu.memory_space<semaphore_mem>>
    %dma_start3A_174 = tpu.memref_squeeze %dma_start3A_173 : memref<1x!tpu.dma_semaphore, #tpu.memory_space<semaphore_mem>> -> memref<!tpu.dma_semaphore, #tpu.memory_space<semaphore_mem>>
    tpu.enqueue_indirect_dma source(%dma_start3A_172 : memref<50000x128xf32, #tpu.memory_space<hbm>>) target(%dma_start3A_167 : memref<80x128xf32, #tpu.memory_space<vmem>>) offsets(%dma_start3A_169 : memref<80xi32, #tpu.memory_space<vmem>>) semaphore(%dma_start3A_174 : memref<!tpu.dma_semaphore, #tpu.memory_space<semaphore_mem>>)
    %scan3A = arith.constant 0 : i32
    %scan3A_175 = arith.constant 0 : i32
    %scan3A_176 = arith.constant 16 : i32
    %scan3A_177 = arith.addi %scan3A_175, %scan3A_176 : i32
    %scan3A_178 = arith.constant 1 : i32
    scf.for %scan3A_216 = %scan3A_175 to %scan3A_177 step %scan3A_178  : i32 {
      %and3A = arith.constant 1 : i32
      %and3A_217 = arith.andi %scan3A_216, %and3A : i32
      %jit3A = arith.constant 3 : i32
      %eq3A = arith.constant 0 : i32
      %eq3A_218 = arith.cmpi eq, %jit3A, %eq3A : i32
      %jit3A_219 = arith.constant 1 : i32
      %select_n3A = arith.select %eq3A_218, %jit3A_219, %jit3A : i32
      %rem3A = arith.remsi %scan3A_216, %select_n3A : i32
      %ne3A = arith.constant 0 : i32
      %ne3A_220 = arith.cmpi ne, %rem3A, %ne3A : i32
      %lt3A_221 = arith.constant 0 : i32
      %lt3A_222 = arith.cmpi slt, %rem3A, %lt3A_221 : i32
      %lt3A_223 = arith.constant 0 : i32
      %lt3A_224 = arith.cmpi slt, %select_n3A, %lt3A_223 : i32
      %ne3A_225 = arith.xori %lt3A_222, %lt3A_224 : i1
      %and3A_226 = arith.andi %ne3A_225, %ne3A_220 : i1
      %add3A_227 = arith.addi %rem3A, %select_n3A : i32
      %select_n3A_228 = arith.select %and3A_226, %add3A_227, %rem3A : i32
      %add3A_229 = arith.constant 1 : i32
      %add3A_230 = arith.addi %scan3A_216, %add3A_229 : i32
      %lt3A_231 = arith.constant 16 : i32
      %lt3A_232 = arith.cmpi slt, %add3A_230, %lt3A_231 : i32
      %convert_element_type3A = arith.extui %lt3A_232 : i1 to i32
      %cond3A = arith.constant 0 : i32
      %cond3A_233 = arith.cmpi ne, %convert_element_type3A, %cond3A : i32
      scf.if %cond3A_233 {
        %add3A_284 = arith.constant 1 : i32
        %add3A_285 = arith.addi %scan3A_216, %add3A_284 : i32
        %jit3A_286 = arith.constant 3 : i32
        %eq3A_287 = arith.constant 0 : i32
        %eq3A_288 = arith.cmpi eq, %jit3A_286, %eq3A_287 : i32
        %jit3A_289 = arith.constant 1 : i32
        %select_n3A_290 = arith.select %eq3A_288, %jit3A_289, %jit3A_286 : i32
        %rem3A_291 = arith.remsi %add3A_285, %select_n3A_290 : i32
        %ne3A_292 = arith.constant 0 : i32
        %ne3A_293 = arith.cmpi ne, %rem3A_291, %ne3A_292 : i32
        %lt3A_294 = arith.constant 0 : i32
        %lt3A_295 = arith.cmpi slt, %rem3A_291, %lt3A_294 : i32
        %lt3A_296 = arith.constant 0 : i32
        %lt3A_297 = arith.cmpi slt, %select_n3A_290, %lt3A_296 : i32
        %ne3A_298 = arith.xori %lt3A_295, %lt3A_297 : i1
        %and3A_299 = arith.andi %ne3A_298, %ne3A_293 : i1
        %add3A_300 = arith.addi %rem3A_291, %select_n3A_290 : i32
        %select_n3A_301 = arith.select %and3A_299, %add3A_300, %rem3A_291 : i32
        %mul3A_302 = arith.constant 32 : i32
        %mul3A_303 = arith.muli %select_n3A_301, %mul3A_302 : i32
        %dma_wait3A_304 = tpu.memref_slice %arg8[%mul3A_303] : memref<112xi32, #tpu.memory_space<vmem>> -> memref<32xi32, #tpu.memory_space<vmem>>
        %dma_wait3A_305 = arith.constant 0 : i32
        %dma_wait3A_306 = tpu.memref_slice %arg2[%dma_wait3A_305] : memref<16384xi32, #tpu.memory_space<hbm>> -> memref<32xi32, #tpu.memory_space<hbm>>
        %dma_wait3A_307 = tpu.memref_slice %arg14[%select_n3A_301] : memref<3x!tpu.dma_semaphore, #tpu.memory_space<semaphore_mem>> -> memref<1x!tpu.dma_semaphore, #tpu.memory_space<semaphore_mem>>
        %dma_wait3A_308 = tpu.memref_squeeze %dma_wait3A_307 : memref<1x!tpu.dma_semaphore, #tpu.memory_space<semaphore_mem>> -> memref<!tpu.dma_semaphore, #tpu.memory_space<semaphore_mem>>
        %dma_wait3A_309 = tpu.memref_slice %arg8[%mul3A_303] : memref<112xi32, #tpu.memory_space<vmem>> -> memref<32xi32, #tpu.memory_space<vmem>>
        %dma_wait3A_310 = arith.constant 0 : i32
        %dma_wait3A_311 = tpu.memref_slice %arg2[%dma_wait3A_310] : memref<16384xi32, #tpu.memory_space<hbm>> -> memref<32xi32, #tpu.memory_space<hbm>>
        tpu.wait_dma2 semaphore(%dma_wait3A_308 : memref<!tpu.dma_semaphore, #tpu.memory_space<semaphore_mem>>) src(%dma_wait3A_311 : memref<32xi32, #tpu.memory_space<hbm>>) dst(%dma_wait3A_309 : memref<32xi32, #tpu.memory_space<vmem>>)
        %mul3A_312 = arith.constant 320 : i32
        %mul3A_313 = arith.muli %select_n3A_301, %mul3A_312 : i32
        %dma_wait3A_314 = tpu.memref_slice %arg9[%mul3A_313] : memref<976xi32, #tpu.memory_space<vmem>> -> memref<320xi32, #tpu.memory_space<vmem>>
        %dma_wait3A_315 = arith.constant 0 : i32
        %dma_wait3A_316 = tpu.memref_slice %arg3[%dma_wait3A_315] : memref<163840xi32, #tpu.memory_space<hbm>> -> memref<320xi32, #tpu.memory_space<hbm>>
        %dma_wait3A_317 = tpu.memref_slice %arg14[%select_n3A_301] : memref<3x!tpu.dma_semaphore, #tpu.memory_space<semaphore_mem>> -> memref<1x!tpu.dma_semaphore, #tpu.memory_space<semaphore_mem>>
        %dma_wait3A_318 = tpu.memref_squeeze %dma_wait3A_317 : memref<1x!tpu.dma_semaphore, #tpu.memory_space<semaphore_mem>> -> memref<!tpu.dma_semaphore, #tpu.memory_space<semaphore_mem>>
        %dma_wait3A_319 = tpu.memref_slice %arg9[%mul3A_313] : memref<976xi32, #tpu.memory_space<vmem>> -> memref<320xi32, #tpu.memory_space<vmem>>
        %dma_wait3A_320 = arith.constant 0 : i32
        %dma_wait3A_321 = tpu.memref_slice %arg3[%dma_wait3A_320] : memref<163840xi32, #tpu.memory_space<hbm>> -> memref<320xi32, #tpu.memory_space<hbm>>
        tpu.wait_dma2 semaphore(%dma_wait3A_318 : memref<!tpu.dma_semaphore, #tpu.memory_space<semaphore_mem>>) src(%dma_wait3A_321 : memref<320xi32, #tpu.memory_space<hbm>>) dst(%dma_wait3A_319 : memref<320xi32, #tpu.memory_space<vmem>>)
        %dma_wait3A_322 = arith.constant 0 : i32
        %dma_wait3A_323 = arith.constant 0 : i32
        %dma_wait3A_324 = tpu.memref_slice %arg10[%select_n3A_301, %dma_wait3A_322, %dma_wait3A_323] : memref<3x32x16xf32, #tpu.memory_space<vmem>> -> memref<1x32x16xf32, #tpu.memory_space<vmem>>
        %dma_wait3A_325 = tpu.memref_squeeze %dma_wait3A_324 : memref<1x32x16xf32, #tpu.memory_space<vmem>> -> memref<32x16xf32, #tpu.memory_space<vmem>>
        %dma_wait3A_326 = arith.constant 0 : i32
        %dma_wait3A_327 = arith.constant 0 : i32
        %dma_wait3A_328 = tpu.memref_slice %arg4[%dma_wait3A_326, %dma_wait3A_327] : memref<16384x16xf32, #tpu.memory_space<hbm>> -> memref<32x16xf32, #tpu.memory_space<hbm>>
        %dma_wait3A_329 = tpu.memref_slice %arg14[%select_n3A_301] : memref<3x!tpu.dma_semaphore, #tpu.memory_space<semaphore_mem>> -> memref<1x!tpu.dma_semaphore, #tpu.memory_space<semaphore_mem>>
        %dma_wait3A_330 = tpu.memref_squeeze %dma_wait3A_329 : memref<1x!tpu.dma_semaphore, #tpu.memory_space<semaphore_mem>> -> memref<!tpu.dma_semaphore, #tpu.memory_space<semaphore_mem>>
        %dma_wait3A_331 = arith.constant 0 : i32
        %dma_wait3A_332 = arith.constant 0 : i32
        %dma_wait3A_333 = tpu.memref_slice %arg10[%select_n3A_301, %dma_wait3A_331, %dma_wait3A_332] : memref<3x32x16xf32, #tpu.memory_space<vmem>> -> memref<1x32x16xf32, #tpu.memory_space<vmem>>
        %dma_wait3A_334 = tpu.memref_squeeze %dma_wait3A_333 : memref<1x32x16xf32, #tpu.memory_space<vmem>> -> memref<32x16xf32, #tpu.memory_space<vmem>>
        %dma_wait3A_335 = arith.constant 0 : i32
        %dma_wait3A_336 = arith.constant 0 : i32
        %dma_wait3A_337 = tpu.memref_slice %arg4[%dma_wait3A_335, %dma_wait3A_336] : memref<16384x16xf32, #tpu.memory_space<hbm>> -> memref<32x16xf32, #tpu.memory_space<hbm>>
        tpu.wait_dma2 semaphore(%dma_wait3A_330 : memref<!tpu.dma_semaphore, #tpu.memory_space<semaphore_mem>>) src(%dma_wait3A_337 : memref<32x16xf32, #tpu.memory_space<hbm>>) dst(%dma_wait3A_334 : memref<32x16xf32, #tpu.memory_space<vmem>>)
        %add3A_338 = arith.constant 1 : i32
        %add3A_339 = arith.addi %scan3A_216, %add3A_338 : i32
        %jit3A_340 = arith.constant 3 : i32
        %eq3A_341 = arith.constant 0 : i32
        %eq3A_342 = arith.cmpi eq, %jit3A_340, %eq3A_341 : i32
        %jit3A_343 = arith.constant 1 : i32
        %select_n3A_344 = arith.select %eq3A_342, %jit3A_343, %jit3A_340 : i32
        %rem3A_345 = arith.remsi %add3A_339, %select_n3A_344 : i32
        %ne3A_346 = arith.constant 0 : i32
        %ne3A_347 = arith.cmpi ne, %rem3A_345, %ne3A_346 : i32
        %lt3A_348 = arith.constant 0 : i32
        %lt3A_349 = arith.cmpi slt, %rem3A_345, %lt3A_348 : i32
        %lt3A_350 = arith.constant 0 : i32
        %lt3A_351 = arith.cmpi slt, %select_n3A_344, %lt3A_350 : i32
        %ne3A_352 = arith.xori %lt3A_349, %lt3A_351 : i1
        %and3A_353 = arith.andi %ne3A_352, %ne3A_347 : i1
        %add3A_354 = arith.addi %rem3A_345, %select_n3A_344 : i32
        %select_n3A_355 = arith.select %and3A_353, %add3A_354, %rem3A_345 : i32
        %sub3A = arith.constant 1 : i32
        %sub3A_356 = arith.subi %sub3A, %and3A_217 : i32
        %mul3A_357 = arith.constant 320 : i32
        %mul3A_358 = arith.muli %select_n3A_355, %mul3A_357 : i32
        %add3A_359 = arith.constant 0 : i32
        %add3A_360 = arith.addi %mul3A_358, %add3A_359 : i32
        %dma_start3A_361 = arith.constant 0 : i32
        %dma_start3A_362 = arith.constant 0 : i32
        %dma_start3A_363 = tpu.memref_slice %arg12[%sub3A_356, %dma_start3A_361, %dma_start3A_362] : memref<2x320x128xf32, #tpu.memory_space<vmem>> -> memref<1x80x128xf32, #tpu.memory_space<vmem>>
        %dma_start3A_364 = tpu.memref_squeeze %dma_start3A_363 : memref<1x80x128xf32, #tpu.memory_space<vmem>> -> memref<80x128xf32, #tpu.memory_space<vmem>>
        %dma_start3A_365 = tpu.memref_slice %arg9[%add3A_360] : memref<976xi32, #tpu.memory_space<vmem>> -> memref<80xi32, #tpu.memory_space<vmem>>
        %dma_start3A_366 = arith.constant 0 : i32
        %dma_start3A_367 = arith.constant 0 : i32
        %dma_start3A_368 = tpu.memref_slice %arg5[%dma_start3A_366, %dma_start3A_367] : memref<50000x128xf32, #tpu.memory_space<hbm>> -> memref<50000x128xf32, #tpu.memory_space<hbm>>
        %dma_start3A_369 = tpu.memref_slice %arg15[%sub3A_356] : memref<2x!tpu.dma_semaphore, #tpu.memory_space<semaphore_mem>> -> memref<1x!tpu.dma_semaphore, #tpu.memory_space<semaphore_mem>>
        %dma_start3A_370 = tpu.memref_squeeze %dma_start3A_369 : memref<1x!tpu.dma_semaphore, #tpu.memory_space<semaphore_mem>> -> memref<!tpu.dma_semaphore, #tpu.memory_space<semaphore_mem>>
        tpu.enqueue_indirect_dma source(%dma_start3A_368 : memref<50000x128xf32, #tpu.memory_space<hbm>>) target(%dma_start3A_364 : memref<80x128xf32, #tpu.memory_space<vmem>>) offsets(%dma_start3A_365 : memref<80xi32, #tpu.memory_space<vmem>>) semaphore(%dma_start3A_370 : memref<!tpu.dma_semaphore, #tpu.memory_space<semaphore_mem>>)
        %mul3A_371 = arith.constant 320 : i32
        %mul3A_372 = arith.muli %select_n3A_355, %mul3A_371 : i32
        %add3A_373 = arith.constant 80 : i32
        %add3A_374 = arith.addi %mul3A_372, %add3A_373 : i32
        %dma_start3A_375 = arith.constant 80 : i32
        %dma_start3A_376 = arith.constant 0 : i32
        %dma_start3A_377 = tpu.memref_slice %arg12[%sub3A_356, %dma_start3A_375, %dma_start3A_376] : memref<2x320x128xf32, #tpu.memory_space<vmem>> -> memref<1x80x128xf32, #tpu.memory_space<vmem>>
        %dma_start3A_378 = tpu.memref_squeeze %dma_start3A_377 : memref<1x80x128xf32, #tpu.memory_space<vmem>> -> memref<80x128xf32, #tpu.memory_space<vmem>>
        %dma_start3A_379 = tpu.memref_slice %arg9[%add3A_374] : memref<976xi32, #tpu.memory_space<vmem>> -> memref<80xi32, #tpu.memory_space<vmem>>
        %dma_start3A_380 = arith.constant 0 : i32
        %dma_start3A_381 = arith.constant 0 : i32
        %dma_start3A_382 = tpu.memref_slice %arg5[%dma_start3A_380, %dma_start3A_381] : memref<50000x128xf32, #tpu.memory_space<hbm>> -> memref<50000x128xf32, #tpu.memory_space<hbm>>
        %dma_start3A_383 = tpu.memref_slice %arg15[%sub3A_356] : memref<2x!tpu.dma_semaphore, #tpu.memory_space<semaphore_mem>> -> memref<1x!tpu.dma_semaphore, #tpu.memory_space<semaphore_mem>>
        %dma_start3A_384 = tpu.memref_squeeze %dma_start3A_383 : memref<1x!tpu.dma_semaphore, #tpu.memory_space<semaphore_mem>> -> memref<!tpu.dma_semaphore, #tpu.memory_space<semaphore_mem>>
        tpu.enqueue_indirect_dma source(%dma_start3A_382 : memref<50000x128xf32, #tpu.memory_space<hbm>>) target(%dma_start3A_378 : memref<80x128xf32, #tpu.memory_space<vmem>>) offsets(%dma_start3A_379 : memref<80xi32, #tpu.memory_space<vmem>>) semaphore(%dma_start3A_384 : memref<!tpu.dma_semaphore, #tpu.memory_space<semaphore_mem>>)
        %mul3A_385 = arith.constant 320 : i32
        %mul3A_386 = arith.muli %select_n3A_355, %mul3A_385 : i32
        %add3A_387 = arith.constant 160 : i32
        %add3A_388 = arith.addi %mul3A_386, %add3A_387 : i32
        %dma_start3A_389 = arith.constant 160 : i32
        %dma_start3A_390 = arith.constant 0 : i32
        %dma_start3A_391 = tpu.memref_slice %arg12[%sub3A_356, %dma_start3A_389, %dma_start3A_390] : memref<2x320x128xf32, #tpu.memory_space<vmem>> -> memref<1x80x128xf32, #tpu.memory_space<vmem>>
        %dma_start3A_392 = tpu.memref_squeeze %dma_start3A_391 : memref<1x80x128xf32, #tpu.memory_space<vmem>> -> memref<80x128xf32, #tpu.memory_space<vmem>>
        %dma_start3A_393 = tpu.memref_slice %arg9[%add3A_388] : memref<976xi32, #tpu.memory_space<vmem>> -> memref<80xi32, #tpu.memory_space<vmem>>
        %dma_start3A_394 = arith.constant 0 : i32
        %dma_start3A_395 = arith.constant 0 : i32
        %dma_start3A_396 = tpu.memref_slice %arg5[%dma_start3A_394, %dma_start3A_395] : memref<50000x128xf32, #tpu.memory_space<hbm>> -> memref<50000x128xf32, #tpu.memory_space<hbm>>
        %dma_start3A_397 = tpu.memref_slice %arg15[%sub3A_356] : memref<2x!tpu.dma_semaphore, #tpu.memory_space<semaphore_mem>> -> memref<1x!tpu.dma_semaphore, #tpu.memory_space<semaphore_mem>>
        %dma_start3A_398 = tpu.memref_squeeze %dma_start3A_397 : memref<1x!tpu.dma_semaphore, #tpu.memory_space<semaphore_mem>> -> memref<!tpu.dma_semaphore, #tpu.memory_space<semaphore_mem>>
        tpu.enqueue_indirect_dma source(%dma_start3A_396 : memref<50000x128xf32, #tpu.memory_space<hbm>>) target(%dma_start3A_392 : memref<80x128xf32, #tpu.memory_space<vmem>>) offsets(%dma_start3A_393 : memref<80xi32, #tpu.memory_space<vmem>>) semaphore(%dma_start3A_398 : memref<!tpu.dma_semaphore, #tpu.memory_space<semaphore_mem>>)
        %mul3A_399 = arith.constant 320 : i32
        %mul3A_400 = arith.muli %select_n3A_355, %mul3A_399 : i32
        %add3A_401 = arith.constant 240 : i32
        %add3A_402 = arith.addi %mul3A_400, %add3A_401 : i32
        %dma_start3A_403 = arith.constant 240 : i32
        %dma_start3A_404 = arith.constant 0 : i32
        %dma_start3A_405 = tpu.memref_slice %arg12[%sub3A_356, %dma_start3A_403, %dma_start3A_404] : memref<2x320x128xf32, #tpu.memory_space<vmem>> -> memref<1x80x128xf32, #tpu.memory_space<vmem>>
        %dma_start3A_406 = tpu.memref_squeeze %dma_start3A_405 : memref<1x80x128xf32, #tpu.memory_space<vmem>> -> memref<80x128xf32, #tpu.memory_space<vmem>>
        %dma_start3A_407 = tpu.memref_slice %arg9[%add3A_402] : memref<976xi32, #tpu.memory_space<vmem>> -> memref<80xi32, #tpu.memory_space<vmem>>
        %dma_start3A_408 = arith.constant 0 : i32
        %dma_start3A_409 = arith.constant 0 : i32
        %dma_start3A_410 = tpu.memref_slice %arg5[%dma_start3A_408, %dma_start3A_409] : memref<50000x128xf32, #tpu.memory_space<hbm>> -> memref<50000x128xf32, #tpu.memory_space<hbm>>
        %dma_start3A_411 = tpu.memref_slice %arg15[%sub3A_356] : memref<2x!tpu.dma_semaphore, #tpu.memory_space<semaphore_mem>> -> memref<1x!tpu.dma_semaphore, #tpu.memory_space<semaphore_mem>>
        %dma_start3A_412 = tpu.memref_squeeze %dma_start3A_411 : memref<1x!tpu.dma_semaphore, #tpu.memory_space<semaphore_mem>> -> memref<!tpu.dma_semaphore, #tpu.memory_space<semaphore_mem>>
        tpu.enqueue_indirect_dma source(%dma_start3A_410 : memref<50000x128xf32, #tpu.memory_space<hbm>>) target(%dma_start3A_406 : memref<80x128xf32, #tpu.memory_space<vmem>>) offsets(%dma_start3A_407 : memref<80xi32, #tpu.memory_space<vmem>>) semaphore(%dma_start3A_412 : memref<!tpu.dma_semaphore, #tpu.memory_space<semaphore_mem>>)
      } else {
      }
      %dma_wait3A_234 = arith.constant 0 : i32
      %dma_wait3A_235 = arith.constant 0 : i32
      %dma_wait3A_236 = tpu.memref_slice %arg12[%and3A_217, %dma_wait3A_234, %dma_wait3A_235] : memref<2x320x128xf32, #tpu.memory_space<vmem>> -> memref<1x320x128xf32, #tpu.memory_space<vmem>>
      %dma_wait3A_237 = tpu.memref_squeeze %dma_wait3A_236 : memref<1x320x128xf32, #tpu.memory_space<vmem>> -> memref<320x128xf32, #tpu.memory_space<vmem>>
      %dma_wait3A_238 = arith.constant 0 : i32
      %dma_wait3A_239 = arith.constant 0 : i32
      %dma_wait3A_240 = tpu.memref_slice %arg5[%dma_wait3A_238, %dma_wait3A_239] : memref<50000x128xf32, #tpu.memory_space<hbm>> -> memref<320x128xf32, #tpu.memory_space<hbm>>
      %dma_wait3A_241 = tpu.memref_slice %arg15[%and3A_217] : memref<2x!tpu.dma_semaphore, #tpu.memory_space<semaphore_mem>> -> memref<1x!tpu.dma_semaphore, #tpu.memory_space<semaphore_mem>>
      %dma_wait3A_242 = tpu.memref_squeeze %dma_wait3A_241 : memref<1x!tpu.dma_semaphore, #tpu.memory_space<semaphore_mem>> -> memref<!tpu.dma_semaphore, #tpu.memory_space<semaphore_mem>>
      %dma_wait3A_243 = arith.constant 0 : i32
      %dma_wait3A_244 = arith.constant 0 : i32
      %dma_wait3A_245 = tpu.memref_slice %arg12[%and3A_217, %dma_wait3A_243, %dma_wait3A_244] : memref<2x320x128xf32, #tpu.memory_space<vmem>> -> memref<1x320x128xf32, #tpu.memory_space<vmem>>
      %dma_wait3A_246 = tpu.memref_squeeze %dma_wait3A_245 : memref<1x320x128xf32, #tpu.memory_space<vmem>> -> memref<320x128xf32, #tpu.memory_space<vmem>>
      %dma_wait3A_247 = arith.constant 0 : i32
      %dma_wait3A_248 = arith.constant 0 : i32
      %dma_wait3A_249 = tpu.memref_slice %arg5[%dma_wait3A_247, %dma_wait3A_248] : memref<50000x128xf32, #tpu.memory_space<hbm>> -> memref<320x128xf32, #tpu.memory_space<hbm>>
      tpu.wait_dma2 semaphore(%dma_wait3A_242 : memref<!tpu.dma_semaphore, #tpu.memory_space<semaphore_mem>>) src(%dma_wait3A_249 : memref<320x128xf32, #tpu.memory_space<hbm>>) dst(%dma_wait3A_246 : memref<320x128xf32, #tpu.memory_space<vmem>>)
      %add3A_250 = arith.constant 2 : i32
      %add3A_251 = arith.addi %scan3A_216, %add3A_250 : i32
      %lt3A_252 = arith.constant 16 : i32
      %lt3A_253 = arith.cmpi slt, %add3A_251, %lt3A_252 : i32
      %convert_element_type3A_254 = arith.extui %lt3A_253 : i1 to i32
      %cond3A_255 = arith.constant 0 : i32
      %cond3A_256 = arith.cmpi ne, %convert_element_type3A_254, %cond3A_255 : i32
      scf.if %cond3A_256 {
        %add3A_284 = arith.constant 2 : i32
        %add3A_285 = arith.addi %scan3A_216, %add3A_284 : i32
        %add3A_286 = arith.constant 2 : i32
        %add3A_287 = arith.addi %scan3A_216, %add3A_286 : i32
        %jit3A_288 = arith.constant 3 : i32
        %eq3A_289 = arith.constant 0 : i32
        %eq3A_290 = arith.cmpi eq, %jit3A_288, %eq3A_289 : i32
        %jit3A_291 = arith.constant 1 : i32
        %select_n3A_292 = arith.select %eq3A_290, %jit3A_291, %jit3A_288 : i32
        %rem3A_293 = arith.remsi %add3A_287, %select_n3A_292 : i32
        %ne3A_294 = arith.constant 0 : i32
        %ne3A_295 = arith.cmpi ne, %rem3A_293, %ne3A_294 : i32
        %lt3A_296 = arith.constant 0 : i32
        %lt3A_297 = arith.cmpi slt, %rem3A_293, %lt3A_296 : i32
        %lt3A_298 = arith.constant 0 : i32
        %lt3A_299 = arith.cmpi slt, %select_n3A_292, %lt3A_298 : i32
        %ne3A_300 = arith.xori %lt3A_297, %lt3A_299 : i1
        %and3A_301 = arith.andi %ne3A_300, %ne3A_295 : i1
        %add3A_302 = arith.addi %rem3A_293, %select_n3A_292 : i32
        %select_n3A_303 = arith.select %and3A_301, %add3A_302, %rem3A_293 : i32
        %mul3A_304 = arith.constant 32 : i32
        %mul3A_305 = arith.muli %add3A_285, %mul3A_304 : i32
        %add3A_306 = arith.addi %mul3A_2, %mul3A_305 : i32
        %mul3A_307 = arith.constant 32 : i32
        %mul3A_308 = arith.muli %select_n3A_303, %mul3A_307 : i32
        %dma_start3A_309 = tpu.memref_slice %arg8[%mul3A_308] : memref<112xi32, #tpu.memory_space<vmem>> -> memref<32xi32, #tpu.memory_space<vmem>>
        %dma_start3A_310 = tpu.memref_slice %arg2[%add3A_306] : memref<16384xi32, #tpu.memory_space<hbm>> -> memref<32xi32, #tpu.memory_space<hbm>>
        %dma_start3A_311 = tpu.memref_slice %arg14[%select_n3A_303] : memref<3x!tpu.dma_semaphore, #tpu.memory_space<semaphore_mem>> -> memref<1x!tpu.dma_semaphore, #tpu.memory_space<semaphore_mem>>
        %dma_start3A_312 = tpu.memref_squeeze %dma_start3A_311 : memref<1x!tpu.dma_semaphore, #tpu.memory_space<semaphore_mem>> -> memref<!tpu.dma_semaphore, #tpu.memory_space<semaphore_mem>>
        %dma_start3A_313 = tpu.memref_slice %arg8[%mul3A_308] : memref<112xi32, #tpu.memory_space<vmem>> -> memref<32xi32, #tpu.memory_space<vmem>>
        %dma_start3A_314 = tpu.memref_slice %arg2[%add3A_306] : memref<16384xi32, #tpu.memory_space<hbm>> -> memref<32xi32, #tpu.memory_space<hbm>>
        tpu.enqueue_dma source(%dma_start3A_314 : memref<32xi32, #tpu.memory_space<hbm>>) target(%dma_start3A_313 : memref<32xi32, #tpu.memory_space<vmem>>) target_semaphore(%dma_start3A_312 : memref<!tpu.dma_semaphore, #tpu.memory_space<semaphore_mem>>)
        %mul3A_315 = arith.constant 10 : i32
        %mul3A_316 = arith.muli %add3A_306, %mul3A_315 : i32
        %mul3A_317 = arith.constant 320 : i32
        %mul3A_318 = arith.muli %select_n3A_303, %mul3A_317 : i32
        %dma_start3A_319 = tpu.memref_slice %arg9[%mul3A_318] : memref<976xi32, #tpu.memory_space<vmem>> -> memref<320xi32, #tpu.memory_space<vmem>>
        %dma_start3A_320 = tpu.memref_slice %arg3[%mul3A_316] : memref<163840xi32, #tpu.memory_space<hbm>> -> memref<320xi32, #tpu.memory_space<hbm>>
        %dma_start3A_321 = tpu.memref_slice %arg14[%select_n3A_303] : memref<3x!tpu.dma_semaphore, #tpu.memory_space<semaphore_mem>> -> memref<1x!tpu.dma_semaphore, #tpu.memory_space<semaphore_mem>>
        %dma_start3A_322 = tpu.memref_squeeze %dma_start3A_321 : memref<1x!tpu.dma_semaphore, #tpu.memory_space<semaphore_mem>> -> memref<!tpu.dma_semaphore, #tpu.memory_space<semaphore_mem>>
        %dma_start3A_323 = tpu.memref_slice %arg9[%mul3A_318] : memref<976xi32, #tpu.memory_space<vmem>> -> memref<320xi32, #tpu.memory_space<vmem>>
        %dma_start3A_324 = tpu.memref_slice %arg3[%mul3A_316] : memref<163840xi32, #tpu.memory_space<hbm>> -> memref<320xi32, #tpu.memory_space<hbm>>
        tpu.enqueue_dma source(%dma_start3A_324 : memref<320xi32, #tpu.memory_space<hbm>>) target(%dma_start3A_323 : memref<320xi32, #tpu.memory_space<vmem>>) target_semaphore(%dma_start3A_322 : memref<!tpu.dma_semaphore, #tpu.memory_space<semaphore_mem>>)
        %dma_start3A_325 = arith.constant 0 : i32
        %dma_start3A_326 = arith.constant 0 : i32
        %dma_start3A_327 = tpu.memref_slice %arg10[%select_n3A_303, %dma_start3A_325, %dma_start3A_326] : memref<3x32x16xf32, #tpu.memory_space<vmem>> -> memref<1x32x16xf32, #tpu.memory_space<vmem>>
        %dma_start3A_328 = tpu.memref_squeeze %dma_start3A_327 : memref<1x32x16xf32, #tpu.memory_space<vmem>> -> memref<32x16xf32, #tpu.memory_space<vmem>>
        %dma_start3A_329 = arith.constant 0 : i32
        %dma_start3A_330 = tpu.memref_slice %arg4[%add3A_306, %dma_start3A_329] : memref<16384x16xf32, #tpu.memory_space<hbm>> -> memref<32x16xf32, #tpu.memory_space<hbm>>
        %dma_start3A_331 = tpu.memref_slice %arg14[%select_n3A_303] : memref<3x!tpu.dma_semaphore, #tpu.memory_space<semaphore_mem>> -> memref<1x!tpu.dma_semaphore, #tpu.memory_space<semaphore_mem>>
        %dma_start3A_332 = tpu.memref_squeeze %dma_start3A_331 : memref<1x!tpu.dma_semaphore, #tpu.memory_space<semaphore_mem>> -> memref<!tpu.dma_semaphore, #tpu.memory_space<semaphore_mem>>
        %dma_start3A_333 = arith.constant 0 : i32
        %dma_start3A_334 = arith.constant 0 : i32
        %dma_start3A_335 = tpu.memref_slice %arg10[%select_n3A_303, %dma_start3A_333, %dma_start3A_334] : memref<3x32x16xf32, #tpu.memory_space<vmem>> -> memref<1x32x16xf32, #tpu.memory_space<vmem>>
        %dma_start3A_336 = tpu.memref_squeeze %dma_start3A_335 : memref<1x32x16xf32, #tpu.memory_space<vmem>> -> memref<32x16xf32, #tpu.memory_space<vmem>>
        %dma_start3A_337 = arith.constant 0 : i32
        %dma_start3A_338 = tpu.memref_slice %arg4[%add3A_306, %dma_start3A_337] : memref<16384x16xf32, #tpu.memory_space<hbm>> -> memref<32x16xf32, #tpu.memory_space<hbm>>
        tpu.enqueue_dma source(%dma_start3A_338 : memref<32x16xf32, #tpu.memory_space<hbm>>) target(%dma_start3A_336 : memref<32x16xf32, #tpu.memory_space<vmem>>) target_semaphore(%dma_start3A_332 : memref<!tpu.dma_semaphore, #tpu.memory_space<semaphore_mem>>)
      } else {
      }
      %ge3A = arith.constant 2 : i32
      %ge3A_257 = arith.cmpi sge, %scan3A_216, %ge3A : i32
      %convert_element_type3A_258 = arith.extui %ge3A_257 : i1 to i32
      %cond3A_259 = arith.constant 0 : i32
      %cond3A_260 = arith.cmpi ne, %convert_element_type3A_258, %cond3A_259 : i32
      scf.if %cond3A_260 {
        %dma_wait3A_284 = arith.constant 0 : i32
        %dma_wait3A_285 = arith.constant 0 : i32
        %dma_wait3A_286 = tpu.memref_slice %arg13[%and3A_217, %dma_wait3A_284, %dma_wait3A_285] : memref<2x32x256xf32, #tpu.memory_space<vmem>> -> memref<1x32x256xf32, #tpu.memory_space<vmem>>
        %dma_wait3A_287 = tpu.memref_squeeze %dma_wait3A_286 : memref<1x32x256xf32, #tpu.memory_space<vmem>> -> memref<32x256xf32, #tpu.memory_space<vmem>>
        %dma_wait3A_288 = arith.constant 0 : i32
        %dma_wait3A_289 = arith.constant 0 : i32
        %dma_wait3A_290 = tpu.memref_slice %arg7[%dma_wait3A_288, %dma_wait3A_289] : memref<16384x256xf32, #tpu.memory_space<hbm>> -> memref<32x256xf32, #tpu.memory_space<hbm>>
        %dma_wait3A_291 = tpu.memref_slice %arg16[%and3A_217] : memref<2x!tpu.dma_semaphore, #tpu.memory_space<semaphore_mem>> -> memref<1x!tpu.dma_semaphore, #tpu.memory_space<semaphore_mem>>
        %dma_wait3A_292 = tpu.memref_squeeze %dma_wait3A_291 : memref<1x!tpu.dma_semaphore, #tpu.memory_space<semaphore_mem>> -> memref<!tpu.dma_semaphore, #tpu.memory_space<semaphore_mem>>
        %dma_wait3A_293 = arith.constant 0 : i32
        %dma_wait3A_294 = arith.constant 0 : i32
        %dma_wait3A_295 = tpu.memref_slice %arg7[%dma_wait3A_293, %dma_wait3A_294] : memref<16384x256xf32, #tpu.memory_space<hbm>> -> memref<32x256xf32, #tpu.memory_space<hbm>>
        %dma_wait3A_296 = arith.constant 0 : i32
        %dma_wait3A_297 = arith.constant 0 : i32
        %dma_wait3A_298 = tpu.memref_slice %arg13[%and3A_217, %dma_wait3A_296, %dma_wait3A_297] : memref<2x32x256xf32, #tpu.memory_space<vmem>> -> memref<1x32x256xf32, #tpu.memory_space<vmem>>
        %dma_wait3A_299 = tpu.memref_squeeze %dma_wait3A_298 : memref<1x32x256xf32, #tpu.memory_space<vmem>> -> memref<32x256xf32, #tpu.memory_space<vmem>>
        tpu.wait_dma2 semaphore(%dma_wait3A_292 : memref<!tpu.dma_semaphore, #tpu.memory_space<semaphore_mem>>) src(%dma_wait3A_299 : memref<32x256xf32, #tpu.memory_space<vmem>>) dst(%dma_wait3A_295 : memref<32x256xf32, #tpu.memory_space<hbm>>)
      } else {
      }
      %scan3A_261 = arith.constant 0 : i32
      %scan3A_262 = arith.constant 0 : i32
      %scan3A_263 = arith.constant 32 : i32
      %scan3A_264 = arith.addi %scan3A_262, %scan3A_263 : i32
      %scan3A_265 = arith.constant 1 : i32
      scf.for %scan3A_284 = %scan3A_262 to %scan3A_264 step %scan3A_265  : i32 {
        %mul3A_285 = arith.constant 10 : i32
        %mul3A_286 = arith.muli %scan3A_284, %mul3A_285 : i32
        %mul3A_287 = arith.constant 320 : i32
        %mul3A_288 = arith.muli %select_n3A_228, %mul3A_287 : i32
        %add3A_289 = arith.addi %mul3A_288, %mul3A_286 : i32
        %get3A_290 = arith.index_cast %add3A_289 : i32 to index
        %get3A_291 = tpu.vector_load %arg9[%get3A_290] {strides = array<i32>} : memref<976xi32, #tpu.memory_space<vmem>>, vector<16xi32>,
        %get3A_292 = vector.shape_cast %get3A_291 : vector<16xi32> to vector<16xi32>
        %get3A_293 = arith.index_cast %select_n3A_228 : i32 to index
        %get3A_294 = arith.index_cast %scan3A_284 : i32 to index
        %get3A_295 = arith.constant 0 : index
        %get3A_296 = tpu.vector_load %arg10[%get3A_293, %get3A_294, %get3A_295] {strides = array<i32>} : memref<3x32x16xf32, #tpu.memory_space<vmem>>, vector<1x1x16xf32>,
        %get3A_297 = vector.shape_cast %get3A_296 : vector<1x1x16xf32> to vector<16xf32>
        %mul3A_298 = arith.constant 32 : i32
        %mul3A_299 = arith.muli %select_n3A_228, %mul3A_298 : i32
        %add3A_300 = arith.addi %mul3A_299, %scan3A_284 : i32
        %get3A_301 = arith.index_cast %add3A_300 : i32 to index
        %get3A_302 = tpu.vector_load %arg8[%get3A_301] {strides = array<i32>} : memref<112xi32, #tpu.memory_space<vmem>>, vector<16xi32>,
        %get3A_303 = vector.shape_cast %get3A_302 : vector<16xi32> to vector<16xi32>
        %slice3A = vector.extract_strided_slice %get3A_303 {offsets = [0], sizes = [1], strides = [1]} : vector<16xi32> to vector<1xi32>
        %squeeze3A = vector.extract %slice3A[0] : i32 from vector<1xi32>
        %eq3A_304 = vector.broadcast %squeeze3A : i32 to vector<16xi32>
        %eq3A_305 = arith.cmpi eq, %get3A_292, %eq3A_304 : vector<16xi32>
        %and3A_306 = arith.andi %lt3A_6, %eq3A_305 : vector<16xi1>
        %jit3A_307 = arith.constant 1.000000e+00 : f32
        %jit3A_308 = arith.constant 0.000000e+00 : f32
        %broadcast_in_dim3A = vector.broadcast %jit3A_307 : f32 to vector<16xf32>
        %broadcast_in_dim3A_309 = vector.broadcast %jit3A_308 : f32 to vector<16xf32>
        %select_n3A_310 = arith.select %and3A_306, %broadcast_in_dim3A, %broadcast_in_dim3A_309 : vector<16xi1>, vector<16xf32>
        %sub3A = arith.constant 1.000000e+00 : f32
        %sub3A_311 = vector.broadcast %sub3A : f32 to vector<16xf32>
        %sub3A_312 = arith.subf %sub3A_311, %select_n3A_310 : vector<16xf32>
        %mul3A_313 = arith.mulf %get3A_297, %sub3A_312 : vector<16xf32>
        %mul3A_314 = arith.mulf %get3A_297, %select_n3A_310 : vector<16xf32>
        %broadcast_in_dim3A_315 = arith.constant 0.000000e+00 : f32
        %broadcast_in_dim3A_316 = vector.broadcast %broadcast_in_dim3A_315 : f32 to vector<16xf32>
        %broadcast_in_dim3A_317 = arith.constant 0.000000e+00 : f32
        %broadcast_in_dim3A_318 = vector.broadcast %broadcast_in_dim3A_317 : f32 to vector<16xf32>
        %broadcast_in_dim3A_319 = arith.constant 0.000000e+00 : f32
        %broadcast_in_dim3A_320 = vector.broadcast %broadcast_in_dim3A_319 : f32 to vector<16xf32>
        %broadcast_in_dim3A_321 = arith.constant 0.000000e+00 : f32
        %broadcast_in_dim3A_322 = vector.broadcast %broadcast_in_dim3A_321 : f32 to vector<16xf32>
        %broadcast_in_dim3A_323 = arith.constant 0.000000e+00 : f32
        %broadcast_in_dim3A_324 = vector.broadcast %broadcast_in_dim3A_323 : f32 to vector<16xf32>
        %broadcast_in_dim3A_325 = arith.constant 0.000000e+00 : f32
        %broadcast_in_dim3A_326 = vector.broadcast %broadcast_in_dim3A_325 : f32 to vector<16xf32>
        %broadcast_in_dim3A_327 = arith.constant 0.000000e+00 : f32
        %broadcast_in_dim3A_328 = vector.broadcast %broadcast_in_dim3A_327 : f32 to vector<16xf32>
        %broadcast_in_dim3A_329 = arith.constant 0.000000e+00 : f32
        %broadcast_in_dim3A_330 = vector.broadcast %broadcast_in_dim3A_329 : f32 to vector<16xf32>
        %broadcast_in_dim3A_331 = arith.constant 0.000000e+00 : f32
        %broadcast_in_dim3A_332 = vector.broadcast %broadcast_in_dim3A_331 : f32 to vector<16xf32>
        %broadcast_in_dim3A_333 = arith.constant 0.000000e+00 : f32
        %broadcast_in_dim3A_334 = vector.broadcast %broadcast_in_dim3A_333 : f32 to vector<16xf32>
        %broadcast_in_dim3A_335 = arith.constant 0.000000e+00 : f32
        %broadcast_in_dim3A_336 = vector.broadcast %broadcast_in_dim3A_335 : f32 to vector<16xf32>
        %broadcast_in_dim3A_337 = arith.constant 0.000000e+00 : f32
        %broadcast_in_dim3A_338 = vector.broadcast %broadcast_in_dim3A_337 : f32 to vector<16xf32>
        %broadcast_in_dim3A_339 = arith.constant 0.000000e+00 : f32
        %broadcast_in_dim3A_340 = vector.broadcast %broadcast_in_dim3A_339 : f32 to vector<16xf32>
        %broadcast_in_dim3A_341 = arith.constant 0.000000e+00 : f32
        %broadcast_in_dim3A_342 = vector.broadcast %broadcast_in_dim3A_341 : f32 to vector<16xf32>
        %broadcast_in_dim3A_343 = arith.constant 0.000000e+00 : f32
        %broadcast_in_dim3A_344 = vector.broadcast %broadcast_in_dim3A_343 : f32 to vector<16xf32>
        %broadcast_in_dim3A_345 = arith.constant 0.000000e+00 : f32
        %broadcast_in_dim3A_346 = vector.broadcast %broadcast_in_dim3A_345 : f32 to vector<16xf32>
        %slice3A_347 = vector.extract_strided_slice %mul3A_313 {offsets = [0], sizes = [1], strides = [1]} : vector<16xf32> to vector<1xf32>
        %squeeze3A_348 = vector.extract %slice3A_347[0] : f32 from vector<1xf32>
        %slice3A_349 = vector.extract_strided_slice %mul3A_314 {offsets = [0], sizes = [1], strides = [1]} : vector<16xf32> to vector<1xf32>
        %squeeze3A_350 = vector.extract %slice3A_349[0] : f32 from vector<1xf32>
        %slice3A_351 = vector.extract_strided_slice %select_n3A_310 {offsets = [0], sizes = [1], strides = [1]} : vector<16xf32> to vector<1xf32>
        %squeeze3A_352 = vector.extract %slice3A_351[0] : f32 from vector<1xf32>
        %add3A_353 = arith.constant 0.000000e+00 : f32
        %add3A_354 = arith.addf %add3A_353, %squeeze3A_352 : f32
        %add3A_355 = arith.constant 0 : i32
        %add3A_356 = arith.addi %mul3A_286, %add3A_355 : i32
        %get3A_357 = arith.index_cast %and3A_217 : i32 to index
        %get3A_358 = arith.index_cast %add3A_356 : i32 to index
        %get3A_359 = arith.constant 0 : index
        %get3A_360 = tpu.vector_load %arg12[%get3A_357, %get3A_358, %get3A_359] {strides = array<i32>} : memref<2x320x128xf32, #tpu.memory_space<vmem>>, vector<1x1x16xf32>,
        %get3A_361 = vector.shape_cast %get3A_360 : vector<1x1x16xf32> to vector<16xf32>
        %mul3A_362 = vector.broadcast %squeeze3A_348 : f32 to vector<16xf32>
        %mul3A_363 = arith.mulf %mul3A_362, %get3A_361 : vector<16xf32>
        %add3A_364 = arith.addf %broadcast_in_dim3A_316, %mul3A_363 : vector<16xf32>
        %mul3A_365 = vector.broadcast %squeeze3A_350 : f32 to vector<16xf32>
        %mul3A_366 = arith.mulf %mul3A_365, %get3A_361 : vector<16xf32>
        %add3A_367 = arith.addf %broadcast_in_dim3A_332, %mul3A_366 : vector<16xf32>
        %add3A_368 = arith.constant 0 : i32
        %add3A_369 = arith.addi %mul3A_286, %add3A_368 : i32
        %get3A_370 = arith.index_cast %and3A_217 : i32 to index
        %get3A_371 = arith.index_cast %add3A_369 : i32 to index
        %get3A_372 = arith.constant 16 : index
        %get3A_373 = tpu.vector_load %arg12[%get3A_370, %get3A_371, %get3A_372] {strides = array<i32>} : memref<2x320x128xf32, #tpu.memory_space<vmem>>, vector<1x1x16xf32>,
        %get3A_374 = vector.shape_cast %get3A_373 : vector<1x1x16xf32> to vector<16xf32>
        %mul3A_375 = vector.broadcast %squeeze3A_348 : f32 to vector<16xf32>
        %mul3A_376 = arith.mulf %mul3A_375, %get3A_374 : vector<16xf32>
        %add3A_377 = arith.addf %broadcast_in_dim3A_318, %mul3A_376 : vector<16xf32>
        %mul3A_378 = vector.broadcast %squeeze3A_350 : f32 to vector<16xf32>
        %mul3A_379 = arith.mulf %mul3A_378, %get3A_374 : vector<16xf32>
        %add3A_380 = arith.addf %broadcast_in_dim3A_334, %mul3A_379 : vector<16xf32>
        %add3A_381 = arith.constant 0 : i32
        %add3A_382 = arith.addi %mul3A_286, %add3A_381 : i32
        %get3A_383 = arith.index_cast %and3A_217 : i32 to index
        %get3A_384 = arith.index_cast %add3A_382 : i32 to index
        %get3A_385 = arith.constant 32 : index
        %get3A_386 = tpu.vector_load %arg12[%get3A_383, %get3A_384, %get3A_385] {strides = array<i32>} : memref<2x320x128xf32, #tpu.memory_space<vmem>>, vector<1x1x16xf32>,
        %get3A_387 = vector.shape_cast %get3A_386 : vector<1x1x16xf32> to vector<16xf32>
        %mul3A_388 = vector.broadcast %squeeze3A_348 : f32 to vector<16xf32>
        %mul3A_389 = arith.mulf %mul3A_388, %get3A_387 : vector<16xf32>
        %add3A_390 = arith.addf %broadcast_in_dim3A_320, %mul3A_389 : vector<16xf32>
        %mul3A_391 = vector.broadcast %squeeze3A_350 : f32 to vector<16xf32>
        %mul3A_392 = arith.mulf %mul3A_391, %get3A_387 : vector<16xf32>
        %add3A_393 = arith.addf %broadcast_in_dim3A_336, %mul3A_392 : vector<16xf32>
        %add3A_394 = arith.constant 0 : i32
        %add3A_395 = arith.addi %mul3A_286, %add3A_394 : i32
        %get3A_396 = arith.index_cast %and3A_217 : i32 to index
        %get3A_397 = arith.index_cast %add3A_395 : i32 to index
        %get3A_398 = arith.constant 48 : index
        %get3A_399 = tpu.vector_load %arg12[%get3A_396, %get3A_397, %get3A_398] {strides = array<i32>} : memref<2x320x128xf32, #tpu.memory_space<vmem>>, vector<1x1x16xf32>,
        %get3A_400 = vector.shape_cast %get3A_399 : vector<1x1x16xf32> to vector<16xf32>
        %mul3A_401 = vector.broadcast %squeeze3A_348 : f32 to vector<16xf32>
        %mul3A_402 = arith.mulf %mul3A_401, %get3A_400 : vector<16xf32>
        %add3A_403 = arith.addf %broadcast_in_dim3A_322, %mul3A_402 : vector<16xf32>
        %mul3A_404 = vector.broadcast %squeeze3A_350 : f32 to vector<16xf32>
        %mul3A_405 = arith.mulf %mul3A_404, %get3A_400 : vector<16xf32>
        %add3A_406 = arith.addf %broadcast_in_dim3A_338, %mul3A_405 : vector<16xf32>
        %add3A_407 = arith.constant 0 : i32
        %add3A_408 = arith.addi %mul3A_286, %add3A_407 : i32
        %get3A_409 = arith.index_cast %and3A_217 : i32 to index
        %get3A_410 = arith.index_cast %add3A_408 : i32 to index
        %get3A_411 = arith.constant 64 : index
        %get3A_412 = tpu.vector_load %arg12[%get3A_409, %get3A_410, %get3A_411] {strides = array<i32>} : memref<2x320x128xf32, #tpu.memory_space<vmem>>, vector<1x1x16xf32>,
        %get3A_413 = vector.shape_cast %get3A_412 : vector<1x1x16xf32> to vector<16xf32>
        %mul3A_414 = vector.broadcast %squeeze3A_348 : f32 to vector<16xf32>
        %mul3A_415 = arith.mulf %mul3A_414, %get3A_413 : vector<16xf32>
        %add3A_416 = arith.addf %broadcast_in_dim3A_324, %mul3A_415 : vector<16xf32>
        %mul3A_417 = vector.broadcast %squeeze3A_350 : f32 to vector<16xf32>
        %mul3A_418 = arith.mulf %mul3A_417, %get3A_413 : vector<16xf32>
        %add3A_419 = arith.addf %broadcast_in_dim3A_340, %mul3A_418 : vector<16xf32>
        %add3A_420 = arith.constant 0 : i32
        %add3A_421 = arith.addi %mul3A_286, %add3A_420 : i32
        %get3A_422 = arith.index_cast %and3A_217 : i32 to index
        %get3A_423 = arith.index_cast %add3A_421 : i32 to index
        %get3A_424 = arith.constant 80 : index
        %get3A_425 = tpu.vector_load %arg12[%get3A_422, %get3A_423, %get3A_424] {strides = array<i32>} : memref<2x320x128xf32, #tpu.memory_space<vmem>>, vector<1x1x16xf32>,
        %get3A_426 = vector.shape_cast %get3A_425 : vector<1x1x16xf32> to vector<16xf32>
        %mul3A_427 = vector.broadcast %squeeze3A_348 : f32 to vector<16xf32>
        %mul3A_428 = arith.mulf %mul3A_427, %get3A_426 : vector<16xf32>
        %add3A_429 = arith.addf %broadcast_in_dim3A_326, %mul3A_428 : vector<16xf32>
        %mul3A_430 = vector.broadcast %squeeze3A_350 : f32 to vector<16xf32>
        %mul3A_431 = arith.mulf %mul3A_430, %get3A_426 : vector<16xf32>
        %add3A_432 = arith.addf %broadcast_in_dim3A_342, %mul3A_431 : vector<16xf32>
        %add3A_433 = arith.constant 0 : i32
        %add3A_434 = arith.addi %mul3A_286, %add3A_433 : i32
        %get3A_435 = arith.index_cast %and3A_217 : i32 to index
        %get3A_436 = arith.index_cast %add3A_434 : i32 to index
        %get3A_437 = arith.constant 96 : index
        %get3A_438 = tpu.vector_load %arg12[%get3A_435, %get3A_436, %get3A_437] {strides = array<i32>} : memref<2x320x128xf32, #tpu.memory_space<vmem>>, vector<1x1x16xf32>,
        %get3A_439 = vector.shape_cast %get3A_438 : vector<1x1x16xf32> to vector<16xf32>
        %mul3A_440 = vector.broadcast %squeeze3A_348 : f32 to vector<16xf32>
        %mul3A_441 = arith.mulf %mul3A_440, %get3A_439 : vector<16xf32>
        %add3A_442 = arith.addf %broadcast_in_dim3A_328, %mul3A_441 : vector<16xf32>
        %mul3A_443 = vector.broadcast %squeeze3A_350 : f32 to vector<16xf32>
        %mul3A_444 = arith.mulf %mul3A_443, %get3A_439 : vector<16xf32>
        %add3A_445 = arith.addf %broadcast_in_dim3A_344, %mul3A_444 : vector<16xf32>
        %add3A_446 = arith.constant 0 : i32
        %add3A_447 = arith.addi %mul3A_286, %add3A_446 : i32
        %get3A_448 = arith.index_cast %and3A_217 : i32 to index
        %get3A_449 = arith.index_cast %add3A_447 : i32 to index
        %get3A_450 = arith.constant 112 : index
        %get3A_451 = tpu.vector_load %arg12[%get3A_448, %get3A_449, %get3A_450] {strides = array<i32>} : memref<2x320x128xf32, #tpu.memory_space<vmem>>, vector<1x1x16xf32>,
        %get3A_452 = vector.shape_cast %get3A_451 : vector<1x1x16xf32> to vector<16xf32>
        %mul3A_453 = vector.broadcast %squeeze3A_348 : f32 to vector<16xf32>
        %mul3A_454 = arith.mulf %mul3A_453, %get3A_452 : vector<16xf32>
        %add3A_455 = arith.addf %broadcast_in_dim3A_330, %mul3A_454 : vector<16xf32>
        %mul3A_456 = vector.broadcast %squeeze3A_350 : f32 to vector<16xf32>
        %mul3A_457 = arith.mulf %mul3A_456, %get3A_452 : vector<16xf32>
        %add3A_458 = arith.addf %broadcast_in_dim3A_346, %mul3A_457 : vector<16xf32>
        %slice3A_459 = vector.extract_strided_slice %mul3A_313 {offsets = [1], sizes = [1], strides = [1]} : vector<16xf32> to vector<1xf32>
        %squeeze3A_460 = vector.extract %slice3A_459[0] : f32 from vector<1xf32>
        %slice3A_461 = vector.extract_strided_slice %mul3A_314 {offsets = [1], sizes = [1], strides = [1]} : vector<16xf32> to vector<1xf32>
        %squeeze3A_462 = vector.extract %slice3A_461[0] : f32 from vector<1xf32>
        %slice3A_463 = vector.extract_strided_slice %select_n3A_310 {offsets = [1], sizes = [1], strides = [1]} : vector<16xf32> to vector<1xf32>
        %squeeze3A_464 = vector.extract %slice3A_463[0] : f32 from vector<1xf32>
        %add3A_465 = arith.addf %add3A_354, %squeeze3A_464 : f32
        %add3A_466 = arith.constant 1 : i32
        %add3A_467 = arith.addi %mul3A_286, %add3A_466 : i32
        %get3A_468 = arith.index_cast %and3A_217 : i32 to index
        %get3A_469 = arith.index_cast %add3A_467 : i32 to index
        %get3A_470 = arith.constant 0 : index
        %get3A_471 = tpu.vector_load %arg12[%get3A_468, %get3A_469, %get3A_470] {strides = array<i32>} : memref<2x320x128xf32, #tpu.memory_space<vmem>>, vector<1x1x16xf32>,
        %get3A_472 = vector.shape_cast %get3A_471 : vector<1x1x16xf32> to vector<16xf32>
        %mul3A_473 = vector.broadcast %squeeze3A_460 : f32 to vector<16xf32>
        %mul3A_474 = arith.mulf %mul3A_473, %get3A_472 : vector<16xf32>
        %add3A_475 = arith.addf %add3A_364, %mul3A_474 : vector<16xf32>
        %mul3A_476 = vector.broadcast %squeeze3A_462 : f32 to vector<16xf32>
        %mul3A_477 = arith.mulf %mul3A_476, %get3A_472 : vector<16xf32>
        %add3A_478 = arith.addf %add3A_367, %mul3A_477 : vector<16xf32>
        %add3A_479 = arith.constant 1 : i32
        %add3A_480 = arith.addi %mul3A_286, %add3A_479 : i32
        %get3A_481 = arith.index_cast %and3A_217 : i32 to index
        %get3A_482 = arith.index_cast %add3A_480 : i32 to index
        %get3A_483 = arith.constant 16 : index
        %get3A_484 = tpu.vector_load %arg12[%get3A_481, %get3A_482, %get3A_483] {strides = array<i32>} : memref<2x320x128xf32, #tpu.memory_space<vmem>>, vector<1x1x16xf32>,
        %get3A_485 = vector.shape_cast %get3A_484 : vector<1x1x16xf32> to vector<16xf32>
        %mul3A_486 = vector.broadcast %squeeze3A_460 : f32 to vector<16xf32>
        %mul3A_487 = arith.mulf %mul3A_486, %get3A_485 : vector<16xf32>
        %add3A_488 = arith.addf %add3A_377, %mul3A_487 : vector<16xf32>
        %mul3A_489 = vector.broadcast %squeeze3A_462 : f32 to vector<16xf32>
        %mul3A_490 = arith.mulf %mul3A_489, %get3A_485 : vector<16xf32>
        %add3A_491 = arith.addf %add3A_380, %mul3A_490 : vector<16xf32>
        %add3A_492 = arith.constant 1 : i32
        %add3A_493 = arith.addi %mul3A_286, %add3A_492 : i32
        %get3A_494 = arith.index_cast %and3A_217 : i32 to index
        %get3A_495 = arith.index_cast %add3A_493 : i32 to index
        %get3A_496 = arith.constant 32 : index
        %get3A_497 = tpu.vector_load %arg12[%get3A_494, %get3A_495, %get3A_496] {strides = array<i32>} : memref<2x320x128xf32, #tpu.memory_space<vmem>>, vector<1x1x16xf32>,
        %get3A_498 = vector.shape_cast %get3A_497 : vector<1x1x16xf32> to vector<16xf32>
        %mul3A_499 = vector.broadcast %squeeze3A_460 : f32 to vector<16xf32>
        %mul3A_500 = arith.mulf %mul3A_499, %get3A_498 : vector<16xf32>
        %add3A_501 = arith.addf %add3A_390, %mul3A_500 : vector<16xf32>
        %mul3A_502 = vector.broadcast %squeeze3A_462 : f32 to vector<16xf32>
        %mul3A_503 = arith.mulf %mul3A_502, %get3A_498 : vector<16xf32>
        %add3A_504 = arith.addf %add3A_393, %mul3A_503 : vector<16xf32>
        %add3A_505 = arith.constant 1 : i32
        %add3A_506 = arith.addi %mul3A_286, %add3A_505 : i32
        %get3A_507 = arith.index_cast %and3A_217 : i32 to index
        %get3A_508 = arith.index_cast %add3A_506 : i32 to index
        %get3A_509 = arith.constant 48 : index
        %get3A_510 = tpu.vector_load %arg12[%get3A_507, %get3A_508, %get3A_509] {strides = array<i32>} : memref<2x320x128xf32, #tpu.memory_space<vmem>>, vector<1x1x16xf32>,
        %get3A_511 = vector.shape_cast %get3A_510 : vector<1x1x16xf32> to vector<16xf32>
        %mul3A_512 = vector.broadcast %squeeze3A_460 : f32 to vector<16xf32>
        %mul3A_513 = arith.mulf %mul3A_512, %get3A_511 : vector<16xf32>
        %add3A_514 = arith.addf %add3A_403, %mul3A_513 : vector<16xf32>
        %mul3A_515 = vector.broadcast %squeeze3A_462 : f32 to vector<16xf32>
        %mul3A_516 = arith.mulf %mul3A_515, %get3A_511 : vector<16xf32>
        %add3A_517 = arith.addf %add3A_406, %mul3A_516 : vector<16xf32>
        %add3A_518 = arith.constant 1 : i32
        %add3A_519 = arith.addi %mul3A_286, %add3A_518 : i32
        %get3A_520 = arith.index_cast %and3A_217 : i32 to index
        %get3A_521 = arith.index_cast %add3A_519 : i32 to index
        %get3A_522 = arith.constant 64 : index
        %get3A_523 = tpu.vector_load %arg12[%get3A_520, %get3A_521, %get3A_522] {strides = array<i32>} : memref<2x320x128xf32, #tpu.memory_space<vmem>>, vector<1x1x16xf32>,
        %get3A_524 = vector.shape_cast %get3A_523 : vector<1x1x16xf32> to vector<16xf32>
        %mul3A_525 = vector.broadcast %squeeze3A_460 : f32 to vector<16xf32>
        %mul3A_526 = arith.mulf %mul3A_525, %get3A_524 : vector<16xf32>
        %add3A_527 = arith.addf %add3A_416, %mul3A_526 : vector<16xf32>
        %mul3A_528 = vector.broadcast %squeeze3A_462 : f32 to vector<16xf32>
        %mul3A_529 = arith.mulf %mul3A_528, %get3A_524 : vector<16xf32>
        %add3A_530 = arith.addf %add3A_419, %mul3A_529 : vector<16xf32>
        %add3A_531 = arith.constant 1 : i32
        %add3A_532 = arith.addi %mul3A_286, %add3A_531 : i32
        %get3A_533 = arith.index_cast %and3A_217 : i32 to index
        %get3A_534 = arith.index_cast %add3A_532 : i32 to index
        %get3A_535 = arith.constant 80 : index
        %get3A_536 = tpu.vector_load %arg12[%get3A_533, %get3A_534, %get3A_535] {strides = array<i32>} : memref<2x320x128xf32, #tpu.memory_space<vmem>>, vector<1x1x16xf32>,
        %get3A_537 = vector.shape_cast %get3A_536 : vector<1x1x16xf32> to vector<16xf32>
        %mul3A_538 = vector.broadcast %squeeze3A_460 : f32 to vector<16xf32>
        %mul3A_539 = arith.mulf %mul3A_538, %get3A_537 : vector<16xf32>
        %add3A_540 = arith.addf %add3A_429, %mul3A_539 : vector<16xf32>
        %mul3A_541 = vector.broadcast %squeeze3A_462 : f32 to vector<16xf32>
        %mul3A_542 = arith.mulf %mul3A_541, %get3A_537 : vector<16xf32>
        %add3A_543 = arith.addf %add3A_432, %mul3A_542 : vector<16xf32>
        %add3A_544 = arith.constant 1 : i32
        %add3A_545 = arith.addi %mul3A_286, %add3A_544 : i32
        %get3A_546 = arith.index_cast %and3A_217 : i32 to index
        %get3A_547 = arith.index_cast %add3A_545 : i32 to index
        %get3A_548 = arith.constant 96 : index
        %get3A_549 = tpu.vector_load %arg12[%get3A_546, %get3A_547, %get3A_548] {strides = array<i32>} : memref<2x320x128xf32, #tpu.memory_space<vmem>>, vector<1x1x16xf32>,
        %get3A_550 = vector.shape_cast %get3A_549 : vector<1x1x16xf32> to vector<16xf32>
        %mul3A_551 = vector.broadcast %squeeze3A_460 : f32 to vector<16xf32>
        %mul3A_552 = arith.mulf %mul3A_551, %get3A_550 : vector<16xf32>
        %add3A_553 = arith.addf %add3A_442, %mul3A_552 : vector<16xf32>
        %mul3A_554 = vector.broadcast %squeeze3A_462 : f32 to vector<16xf32>
        %mul3A_555 = arith.mulf %mul3A_554, %get3A_550 : vector<16xf32>
        %add3A_556 = arith.addf %add3A_445, %mul3A_555 : vector<16xf32>
        %add3A_557 = arith.constant 1 : i32
        %add3A_558 = arith.addi %mul3A_286, %add3A_557 : i32
        %get3A_559 = arith.index_cast %and3A_217 : i32 to index
        %get3A_560 = arith.index_cast %add3A_558 : i32 to index
        %get3A_561 = arith.constant 112 : index
        %get3A_562 = tpu.vector_load %arg12[%get3A_559, %get3A_560, %get3A_561] {strides = array<i32>} : memref<2x320x128xf32, #tpu.memory_space<vmem>>, vector<1x1x16xf32>,
        %get3A_563 = vector.shape_cast %get3A_562 : vector<1x1x16xf32> to vector<16xf32>
        %mul3A_564 = vector.broadcast %squeeze3A_460 : f32 to vector<16xf32>
        %mul3A_565 = arith.mulf %mul3A_564, %get3A_563 : vector<16xf32>
        %add3A_566 = arith.addf %add3A_455, %mul3A_565 : vector<16xf32>
        %mul3A_567 = vector.broadcast %squeeze3A_462 : f32 to vector<16xf32>
        %mul3A_568 = arith.mulf %mul3A_567, %get3A_563 : vector<16xf32>
        %add3A_569 = arith.addf %add3A_458, %mul3A_568 : vector<16xf32>
        %slice3A_570 = vector.extract_strided_slice %mul3A_313 {offsets = [2], sizes = [1], strides = [1]} : vector<16xf32> to vector<1xf32>
        %squeeze3A_571 = vector.extract %slice3A_570[0] : f32 from vector<1xf32>
        %slice3A_572 = vector.extract_strided_slice %mul3A_314 {offsets = [2], sizes = [1], strides = [1]} : vector<16xf32> to vector<1xf32>
        %squeeze3A_573 = vector.extract %slice3A_572[0] : f32 from vector<1xf32>
        %slice3A_574 = vector.extract_strided_slice %select_n3A_310 {offsets = [2], sizes = [1], strides = [1]} : vector<16xf32> to vector<1xf32>
        %squeeze3A_575 = vector.extract %slice3A_574[0] : f32 from vector<1xf32>
        %add3A_576 = arith.addf %add3A_465, %squeeze3A_575 : f32
        %add3A_577 = arith.constant 2 : i32
        %add3A_578 = arith.addi %mul3A_286, %add3A_577 : i32
        %get3A_579 = arith.index_cast %and3A_217 : i32 to index
        %get3A_580 = arith.index_cast %add3A_578 : i32 to index
        %get3A_581 = arith.constant 0 : index
        %get3A_582 = tpu.vector_load %arg12[%get3A_579, %get3A_580, %get3A_581] {strides = array<i32>} : memref<2x320x128xf32, #tpu.memory_space<vmem>>, vector<1x1x16xf32>,
        %get3A_583 = vector.shape_cast %get3A_582 : vector<1x1x16xf32> to vector<16xf32>
        %mul3A_584 = vector.broadcast %squeeze3A_571 : f32 to vector<16xf32>
        %mul3A_585 = arith.mulf %mul3A_584, %get3A_583 : vector<16xf32>
        %add3A_586 = arith.addf %add3A_475, %mul3A_585 : vector<16xf32>
        %mul3A_587 = vector.broadcast %squeeze3A_573 : f32 to vector<16xf32>
        %mul3A_588 = arith.mulf %mul3A_587, %get3A_583 : vector<16xf32>
        %add3A_589 = arith.addf %add3A_478, %mul3A_588 : vector<16xf32>
        %add3A_590 = arith.constant 2 : i32
        %add3A_591 = arith.addi %mul3A_286, %add3A_590 : i32
        %get3A_592 = arith.index_cast %and3A_217 : i32 to index
        %get3A_593 = arith.index_cast %add3A_591 : i32 to index
        %get3A_594 = arith.constant 16 : index
        %get3A_595 = tpu.vector_load %arg12[%get3A_592, %get3A_593, %get3A_594] {strides = array<i32>} : memref<2x320x128xf32, #tpu.memory_space<vmem>>, vector<1x1x16xf32>,
        %get3A_596 = vector.shape_cast %get3A_595 : vector<1x1x16xf32> to vector<16xf32>
        %mul3A_597 = vector.broadcast %squeeze3A_571 : f32 to vector<16xf32>
        %mul3A_598 = arith.mulf %mul3A_597, %get3A_596 : vector<16xf32>
        %add3A_599 = arith.addf %add3A_488, %mul3A_598 : vector<16xf32>
        %mul3A_600 = vector.broadcast %squeeze3A_573 : f32 to vector<16xf32>
        %mul3A_601 = arith.mulf %mul3A_600, %get3A_596 : vector<16xf32>
        %add3A_602 = arith.addf %add3A_491, %mul3A_601 : vector<16xf32>
        %add3A_603 = arith.constant 2 : i32
        %add3A_604 = arith.addi %mul3A_286, %add3A_603 : i32
        %get3A_605 = arith.index_cast %and3A_217 : i32 to index
        %get3A_606 = arith.index_cast %add3A_604 : i32 to index
        %get3A_607 = arith.constant 32 : index
        %get3A_608 = tpu.vector_load %arg12[%get3A_605, %get3A_606, %get3A_607] {strides = array<i32>} : memref<2x320x128xf32, #tpu.memory_space<vmem>>, vector<1x1x16xf32>,
        %get3A_609 = vector.shape_cast %get3A_608 : vector<1x1x16xf32> to vector<16xf32>
        %mul3A_610 = vector.broadcast %squeeze3A_571 : f32 to vector<16xf32>
        %mul3A_611 = arith.mulf %mul3A_610, %get3A_609 : vector<16xf32>
        %add3A_612 = arith.addf %add3A_501, %mul3A_611 : vector<16xf32>
        %mul3A_613 = vector.broadcast %squeeze3A_573 : f32 to vector<16xf32>
        %mul3A_614 = arith.mulf %mul3A_613, %get3A_609 : vector<16xf32>
        %add3A_615 = arith.addf %add3A_504, %mul3A_614 : vector<16xf32>
        %add3A_616 = arith.constant 2 : i32
        %add3A_617 = arith.addi %mul3A_286, %add3A_616 : i32
        %get3A_618 = arith.index_cast %and3A_217 : i32 to index
        %get3A_619 = arith.index_cast %add3A_617 : i32 to index
        %get3A_620 = arith.constant 48 : index
        %get3A_621 = tpu.vector_load %arg12[%get3A_618, %get3A_619, %get3A_620] {strides = array<i32>} : memref<2x320x128xf32, #tpu.memory_space<vmem>>, vector<1x1x16xf32>,
        %get3A_622 = vector.shape_cast %get3A_621 : vector<1x1x16xf32> to vector<16xf32>
        %mul3A_623 = vector.broadcast %squeeze3A_571 : f32 to vector<16xf32>
        %mul3A_624 = arith.mulf %mul3A_623, %get3A_622 : vector<16xf32>
        %add3A_625 = arith.addf %add3A_514, %mul3A_624 : vector<16xf32>
        %mul3A_626 = vector.broadcast %squeeze3A_573 : f32 to vector<16xf32>
        %mul3A_627 = arith.mulf %mul3A_626, %get3A_622 : vector<16xf32>
        %add3A_628 = arith.addf %add3A_517, %mul3A_627 : vector<16xf32>
        %add3A_629 = arith.constant 2 : i32
        %add3A_630 = arith.addi %mul3A_286, %add3A_629 : i32
        %get3A_631 = arith.index_cast %and3A_217 : i32 to index
        %get3A_632 = arith.index_cast %add3A_630 : i32 to index
        %get3A_633 = arith.constant 64 : index
        %get3A_634 = tpu.vector_load %arg12[%get3A_631, %get3A_632, %get3A_633] {strides = array<i32>} : memref<2x320x128xf32, #tpu.memory_space<vmem>>, vector<1x1x16xf32>,
        %get3A_635 = vector.shape_cast %get3A_634 : vector<1x1x16xf32> to vector<16xf32>
        %mul3A_636 = vector.broadcast %squeeze3A_571 : f32 to vector<16xf32>
        %mul3A_637 = arith.mulf %mul3A_636, %get3A_635 : vector<16xf32>
        %add3A_638 = arith.addf %add3A_527, %mul3A_637 : vector<16xf32>
        %mul3A_639 = vector.broadcast %squeeze3A_573 : f32 to vector<16xf32>
        %mul3A_640 = arith.mulf %mul3A_639, %get3A_635 : vector<16xf32>
        %add3A_641 = arith.addf %add3A_530, %mul3A_640 : vector<16xf32>
        %add3A_642 = arith.constant 2 : i32
        %add3A_643 = arith.addi %mul3A_286, %add3A_642 : i32
        %get3A_644 = arith.index_cast %and3A_217 : i32 to index
        %get3A_645 = arith.index_cast %add3A_643 : i32 to index
        %get3A_646 = arith.constant 80 : index
        %get3A_647 = tpu.vector_load %arg12[%get3A_644, %get3A_645, %get3A_646] {strides = array<i32>} : memref<2x320x128xf32, #tpu.memory_space<vmem>>, vector<1x1x16xf32>,
        %get3A_648 = vector.shape_cast %get3A_647 : vector<1x1x16xf32> to vector<16xf32>
        %mul3A_649 = vector.broadcast %squeeze3A_571 : f32 to vector<16xf32>
        %mul3A_650 = arith.mulf %mul3A_649, %get3A_648 : vector<16xf32>
        %add3A_651 = arith.addf %add3A_540, %mul3A_650 : vector<16xf32>
        %mul3A_652 = vector.broadcast %squeeze3A_573 : f32 to vector<16xf32>
        %mul3A_653 = arith.mulf %mul3A_652, %get3A_648 : vector<16xf32>
        %add3A_654 = arith.addf %add3A_543, %mul3A_653 : vector<16xf32>
        %add3A_655 = arith.constant 2 : i32
        %add3A_656 = arith.addi %mul3A_286, %add3A_655 : i32
        %get3A_657 = arith.index_cast %and3A_217 : i32 to index
        %get3A_658 = arith.index_cast %add3A_656 : i32 to index
        %get3A_659 = arith.constant 96 : index
        %get3A_660 = tpu.vector_load %arg12[%get3A_657, %get3A_658, %get3A_659] {strides = array<i32>} : memref<2x320x128xf32, #tpu.memory_space<vmem>>, vector<1x1x16xf32>,
        %get3A_661 = vector.shape_cast %get3A_660 : vector<1x1x16xf32> to vector<16xf32>
        %mul3A_662 = vector.broadcast %squeeze3A_571 : f32 to vector<16xf32>
        %mul3A_663 = arith.mulf %mul3A_662, %get3A_661 : vector<16xf32>
        %add3A_664 = arith.addf %add3A_553, %mul3A_663 : vector<16xf32>
        %mul3A_665 = vector.broadcast %squeeze3A_573 : f32 to vector<16xf32>
        %mul3A_666 = arith.mulf %mul3A_665, %get3A_661 : vector<16xf32>
        %add3A_667 = arith.addf %add3A_556, %mul3A_666 : vector<16xf32>
        %add3A_668 = arith.constant 2 : i32
        %add3A_669 = arith.addi %mul3A_286, %add3A_668 : i32
        %get3A_670 = arith.index_cast %and3A_217 : i32 to index
        %get3A_671 = arith.index_cast %add3A_669 : i32 to index
        %get3A_672 = arith.constant 112 : index
        %get3A_673 = tpu.vector_load %arg12[%get3A_670, %get3A_671, %get3A_672] {strides = array<i32>} : memref<2x320x128xf32, #tpu.memory_space<vmem>>, vector<1x1x16xf32>,
        %get3A_674 = vector.shape_cast %get3A_673 : vector<1x1x16xf32> to vector<16xf32>
        %mul3A_675 = vector.broadcast %squeeze3A_571 : f32 to vector<16xf32>
        %mul3A_676 = arith.mulf %mul3A_675, %get3A_674 : vector<16xf32>
        %add3A_677 = arith.addf %add3A_566, %mul3A_676 : vector<16xf32>
        %mul3A_678 = vector.broadcast %squeeze3A_573 : f32 to vector<16xf32>
        %mul3A_679 = arith.mulf %mul3A_678, %get3A_674 : vector<16xf32>
        %add3A_680 = arith.addf %add3A_569, %mul3A_679 : vector<16xf32>
        %slice3A_681 = vector.extract_strided_slice %mul3A_313 {offsets = [3], sizes = [1], strides = [1]} : vector<16xf32> to vector<1xf32>
        %squeeze3A_682 = vector.extract %slice3A_681[0] : f32 from vector<1xf32>
        %slice3A_683 = vector.extract_strided_slice %mul3A_314 {offsets = [3], sizes = [1], strides = [1]} : vector<16xf32> to vector<1xf32>
        %squeeze3A_684 = vector.extract %slice3A_683[0] : f32 from vector<1xf32>
        %slice3A_685 = vector.extract_strided_slice %select_n3A_310 {offsets = [3], sizes = [1], strides = [1]} : vector<16xf32> to vector<1xf32>
        %squeeze3A_686 = vector.extract %slice3A_685[0] : f32 from vector<1xf32>
        %add3A_687 = arith.addf %add3A_576, %squeeze3A_686 : f32
        %add3A_688 = arith.constant 3 : i32
        %add3A_689 = arith.addi %mul3A_286, %add3A_688 : i32
        %get3A_690 = arith.index_cast %and3A_217 : i32 to index
        %get3A_691 = arith.index_cast %add3A_689 : i32 to index
        %get3A_692 = arith.constant 0 : index
        %get3A_693 = tpu.vector_load %arg12[%get3A_690, %get3A_691, %get3A_692] {strides = array<i32>} : memref<2x320x128xf32, #tpu.memory_space<vmem>>, vector<1x1x16xf32>,
        %get3A_694 = vector.shape_cast %get3A_693 : vector<1x1x16xf32> to vector<16xf32>
        %mul3A_695 = vector.broadcast %squeeze3A_682 : f32 to vector<16xf32>
        %mul3A_696 = arith.mulf %mul3A_695, %get3A_694 : vector<16xf32>
        %add3A_697 = arith.addf %add3A_586, %mul3A_696 : vector<16xf32>
        %mul3A_698 = vector.broadcast %squeeze3A_684 : f32 to vector<16xf32>
        %mul3A_699 = arith.mulf %mul3A_698, %get3A_694 : vector<16xf32>
        %add3A_700 = arith.addf %add3A_589, %mul3A_699 : vector<16xf32>
        %add3A_701 = arith.constant 3 : i32
        %add3A_702 = arith.addi %mul3A_286, %add3A_701 : i32
        %get3A_703 = arith.index_cast %and3A_217 : i32 to index
        %get3A_704 = arith.index_cast %add3A_702 : i32 to index
        %get3A_705 = arith.constant 16 : index
        %get3A_706 = tpu.vector_load %arg12[%get3A_703, %get3A_704, %get3A_705] {strides = array<i32>} : memref<2x320x128xf32, #tpu.memory_space<vmem>>, vector<1x1x16xf32>,
        %get3A_707 = vector.shape_cast %get3A_706 : vector<1x1x16xf32> to vector<16xf32>
        %mul3A_708 = vector.broadcast %squeeze3A_682 : f32 to vector<16xf32>
        %mul3A_709 = arith.mulf %mul3A_708, %get3A_707 : vector<16xf32>
        %add3A_710 = arith.addf %add3A_599, %mul3A_709 : vector<16xf32>
        %mul3A_711 = vector.broadcast %squeeze3A_684 : f32 to vector<16xf32>
        %mul3A_712 = arith.mulf %mul3A_711, %get3A_707 : vector<16xf32>
        %add3A_713 = arith.addf %add3A_602, %mul3A_712 : vector<16xf32>
        %add3A_714 = arith.constant 3 : i32
        %add3A_715 = arith.addi %mul3A_286, %add3A_714 : i32
        %get3A_716 = arith.index_cast %and3A_217 : i32 to index
        %get3A_717 = arith.index_cast %add3A_715 : i32 to index
        %get3A_718 = arith.constant 32 : index
        %get3A_719 = tpu.vector_load %arg12[%get3A_716, %get3A_717, %get3A_718] {strides = array<i32>} : memref<2x320x128xf32, #tpu.memory_space<vmem>>, vector<1x1x16xf32>,
        %get3A_720 = vector.shape_cast %get3A_719 : vector<1x1x16xf32> to vector<16xf32>
        %mul3A_721 = vector.broadcast %squeeze3A_682 : f32 to vector<16xf32>
        %mul3A_722 = arith.mulf %mul3A_721, %get3A_720 : vector<16xf32>
        %add3A_723 = arith.addf %add3A_612, %mul3A_722 : vector<16xf32>
        %mul3A_724 = vector.broadcast %squeeze3A_684 : f32 to vector<16xf32>
        %mul3A_725 = arith.mulf %mul3A_724, %get3A_720 : vector<16xf32>
        %add3A_726 = arith.addf %add3A_615, %mul3A_725 : vector<16xf32>
        %add3A_727 = arith.constant 3 : i32
        %add3A_728 = arith.addi %mul3A_286, %add3A_727 : i32
        %get3A_729 = arith.index_cast %and3A_217 : i32 to index
        %get3A_730 = arith.index_cast %add3A_728 : i32 to index
        %get3A_731 = arith.constant 48 : index
        %get3A_732 = tpu.vector_load %arg12[%get3A_729, %get3A_730, %get3A_731] {strides = array<i32>} : memref<2x320x128xf32, #tpu.memory_space<vmem>>, vector<1x1x16xf32>,
        %get3A_733 = vector.shape_cast %get3A_732 : vector<1x1x16xf32> to vector<16xf32>
        %mul3A_734 = vector.broadcast %squeeze3A_682 : f32 to vector<16xf32>
        %mul3A_735 = arith.mulf %mul3A_734, %get3A_733 : vector<16xf32>
        %add3A_736 = arith.addf %add3A_625, %mul3A_735 : vector<16xf32>
        %mul3A_737 = vector.broadcast %squeeze3A_684 : f32 to vector<16xf32>
        %mul3A_738 = arith.mulf %mul3A_737, %get3A_733 : vector<16xf32>
        %add3A_739 = arith.addf %add3A_628, %mul3A_738 : vector<16xf32>
        %add3A_740 = arith.constant 3 : i32
        %add3A_741 = arith.addi %mul3A_286, %add3A_740 : i32
        %get3A_742 = arith.index_cast %and3A_217 : i32 to index
        %get3A_743 = arith.index_cast %add3A_741 : i32 to index
        %get3A_744 = arith.constant 64 : index
        %get3A_745 = tpu.vector_load %arg12[%get3A_742, %get3A_743, %get3A_744] {strides = array<i32>} : memref<2x320x128xf32, #tpu.memory_space<vmem>>, vector<1x1x16xf32>,
        %get3A_746 = vector.shape_cast %get3A_745 : vector<1x1x16xf32> to vector<16xf32>
        %mul3A_747 = vector.broadcast %squeeze3A_682 : f32 to vector<16xf32>
        %mul3A_748 = arith.mulf %mul3A_747, %get3A_746 : vector<16xf32>
        %add3A_749 = arith.addf %add3A_638, %mul3A_748 : vector<16xf32>
        %mul3A_750 = vector.broadcast %squeeze3A_684 : f32 to vector<16xf32>
        %mul3A_751 = arith.mulf %mul3A_750, %get3A_746 : vector<16xf32>
        %add3A_752 = arith.addf %add3A_641, %mul3A_751 : vector<16xf32>
        %add3A_753 = arith.constant 3 : i32
        %add3A_754 = arith.addi %mul3A_286, %add3A_753 : i32
        %get3A_755 = arith.index_cast %and3A_217 : i32 to index
        %get3A_756 = arith.index_cast %add3A_754 : i32 to index
        %get3A_757 = arith.constant 80 : index
        %get3A_758 = tpu.vector_load %arg12[%get3A_755, %get3A_756, %get3A_757] {strides = array<i32>} : memref<2x320x128xf32, #tpu.memory_space<vmem>>, vector<1x1x16xf32>,
        %get3A_759 = vector.shape_cast %get3A_758 : vector<1x1x16xf32> to vector<16xf32>
        %mul3A_760 = vector.broadcast %squeeze3A_682 : f32 to vector<16xf32>
        %mul3A_761 = arith.mulf %mul3A_760, %get3A_759 : vector<16xf32>
        %add3A_762 = arith.addf %add3A_651, %mul3A_761 : vector<16xf32>
        %mul3A_763 = vector.broadcast %squeeze3A_684 : f32 to vector<16xf32>
        %mul3A_764 = arith.mulf %mul3A_763, %get3A_759 : vector<16xf32>
        %add3A_765 = arith.addf %add3A_654, %mul3A_764 : vector<16xf32>
        %add3A_766 = arith.constant 3 : i32
        %add3A_767 = arith.addi %mul3A_286, %add3A_766 : i32
        %get3A_768 = arith.index_cast %and3A_217 : i32 to index
        %get3A_769 = arith.index_cast %add3A_767 : i32 to index
        %get3A_770 = arith.constant 96 : index
        %get3A_771 = tpu.vector_load %arg12[%get3A_768, %get3A_769, %get3A_770] {strides = array<i32>} : memref<2x320x128xf32, #tpu.memory_space<vmem>>, vector<1x1x16xf32>,
        %get3A_772 = vector.shape_cast %get3A_771 : vector<1x1x16xf32> to vector<16xf32>
        %mul3A_773 = vector.broadcast %squeeze3A_682 : f32 to vector<16xf32>
        %mul3A_774 = arith.mulf %mul3A_773, %get3A_772 : vector<16xf32>
        %add3A_775 = arith.addf %add3A_664, %mul3A_774 : vector<16xf32>
        %mul3A_776 = vector.broadcast %squeeze3A_684 : f32 to vector<16xf32>
        %mul3A_777 = arith.mulf %mul3A_776, %get3A_772 : vector<16xf32>
        %add3A_778 = arith.addf %add3A_667, %mul3A_777 : vector<16xf32>
        %add3A_779 = arith.constant 3 : i32
        %add3A_780 = arith.addi %mul3A_286, %add3A_779 : i32
        %get3A_781 = arith.index_cast %and3A_217 : i32 to index
        %get3A_782 = arith.index_cast %add3A_780 : i32 to index
        %get3A_783 = arith.constant 112 : index
        %get3A_784 = tpu.vector_load %arg12[%get3A_781, %get3A_782, %get3A_783] {strides = array<i32>} : memref<2x320x128xf32, #tpu.memory_space<vmem>>, vector<1x1x16xf32>,
        %get3A_785 = vector.shape_cast %get3A_784 : vector<1x1x16xf32> to vector<16xf32>
        %mul3A_786 = vector.broadcast %squeeze3A_682 : f32 to vector<16xf32>
        %mul3A_787 = arith.mulf %mul3A_786, %get3A_785 : vector<16xf32>
        %add3A_788 = arith.addf %add3A_677, %mul3A_787 : vector<16xf32>
        %mul3A_789 = vector.broadcast %squeeze3A_684 : f32 to vector<16xf32>
        %mul3A_790 = arith.mulf %mul3A_789, %get3A_785 : vector<16xf32>
        %add3A_791 = arith.addf %add3A_680, %mul3A_790 : vector<16xf32>
        %slice3A_792 = vector.extract_strided_slice %mul3A_313 {offsets = [4], sizes = [1], strides = [1]} : vector<16xf32> to vector<1xf32>
        %squeeze3A_793 = vector.extract %slice3A_792[0] : f32 from vector<1xf32>
        %slice3A_794 = vector.extract_strided_slice %mul3A_314 {offsets = [4], sizes = [1], strides = [1]} : vector<16xf32> to vector<1xf32>
        %squeeze3A_795 = vector.extract %slice3A_794[0] : f32 from vector<1xf32>
        %slice3A_796 = vector.extract_strided_slice %select_n3A_310 {offsets = [4], sizes = [1], strides = [1]} : vector<16xf32> to vector<1xf32>
        %squeeze3A_797 = vector.extract %slice3A_796[0] : f32 from vector<1xf32>
        %add3A_798 = arith.addf %add3A_687, %squeeze3A_797 : f32
        %add3A_799 = arith.constant 4 : i32
        %add3A_800 = arith.addi %mul3A_286, %add3A_799 : i32
        %get3A_801 = arith.index_cast %and3A_217 : i32 to index
        %get3A_802 = arith.index_cast %add3A_800 : i32 to index
        %get3A_803 = arith.constant 0 : index
        %get3A_804 = tpu.vector_load %arg12[%get3A_801, %get3A_802, %get3A_803] {strides = array<i32>} : memref<2x320x128xf32, #tpu.memory_space<vmem>>, vector<1x1x16xf32>,
        %get3A_805 = vector.shape_cast %get3A_804 : vector<1x1x16xf32> to vector<16xf32>
        %mul3A_806 = vector.broadcast %squeeze3A_793 : f32 to vector<16xf32>
        %mul3A_807 = arith.mulf %mul3A_806, %get3A_805 : vector<16xf32>
        %add3A_808 = arith.addf %add3A_697, %mul3A_807 : vector<16xf32>
        %mul3A_809 = vector.broadcast %squeeze3A_795 : f32 to vector<16xf32>
        %mul3A_810 = arith.mulf %mul3A_809, %get3A_805 : vector<16xf32>
        %add3A_811 = arith.addf %add3A_700, %mul3A_810 : vector<16xf32>
        %add3A_812 = arith.constant 4 : i32
        %add3A_813 = arith.addi %mul3A_286, %add3A_812 : i32
        %get3A_814 = arith.index_cast %and3A_217 : i32 to index
        %get3A_815 = arith.index_cast %add3A_813 : i32 to index
        %get3A_816 = arith.constant 16 : index
        %get3A_817 = tpu.vector_load %arg12[%get3A_814, %get3A_815, %get3A_816] {strides = array<i32>} : memref<2x320x128xf32, #tpu.memory_space<vmem>>, vector<1x1x16xf32>,
        %get3A_818 = vector.shape_cast %get3A_817 : vector<1x1x16xf32> to vector<16xf32>
        %mul3A_819 = vector.broadcast %squeeze3A_793 : f32 to vector<16xf32>
        %mul3A_820 = arith.mulf %mul3A_819, %get3A_818 : vector<16xf32>
        %add3A_821 = arith.addf %add3A_710, %mul3A_820 : vector<16xf32>
        %mul3A_822 = vector.broadcast %squeeze3A_795 : f32 to vector<16xf32>
        %mul3A_823 = arith.mulf %mul3A_822, %get3A_818 : vector<16xf32>
        %add3A_824 = arith.addf %add3A_713, %mul3A_823 : vector<16xf32>
        %add3A_825 = arith.constant 4 : i32
        %add3A_826 = arith.addi %mul3A_286, %add3A_825 : i32
        %get3A_827 = arith.index_cast %and3A_217 : i32 to index
        %get3A_828 = arith.index_cast %add3A_826 : i32 to index
        %get3A_829 = arith.constant 32 : index
        %get3A_830 = tpu.vector_load %arg12[%get3A_827, %get3A_828, %get3A_829] {strides = array<i32>} : memref<2x320x128xf32, #tpu.memory_space<vmem>>, vector<1x1x16xf32>,
        %get3A_831 = vector.shape_cast %get3A_830 : vector<1x1x16xf32> to vector<16xf32>
        %mul3A_832 = vector.broadcast %squeeze3A_793 : f32 to vector<16xf32>
        %mul3A_833 = arith.mulf %mul3A_832, %get3A_831 : vector<16xf32>
        %add3A_834 = arith.addf %add3A_723, %mul3A_833 : vector<16xf32>
        %mul3A_835 = vector.broadcast %squeeze3A_795 : f32 to vector<16xf32>
        %mul3A_836 = arith.mulf %mul3A_835, %get3A_831 : vector<16xf32>
        %add3A_837 = arith.addf %add3A_726, %mul3A_836 : vector<16xf32>
        %add3A_838 = arith.constant 4 : i32
        %add3A_839 = arith.addi %mul3A_286, %add3A_838 : i32
        %get3A_840 = arith.index_cast %and3A_217 : i32 to index
        %get3A_841 = arith.index_cast %add3A_839 : i32 to index
        %get3A_842 = arith.constant 48 : index
        %get3A_843 = tpu.vector_load %arg12[%get3A_840, %get3A_841, %get3A_842] {strides = array<i32>} : memref<2x320x128xf32, #tpu.memory_space<vmem>>, vector<1x1x16xf32>,
        %get3A_844 = vector.shape_cast %get3A_843 : vector<1x1x16xf32> to vector<16xf32>
        %mul3A_845 = vector.broadcast %squeeze3A_793 : f32 to vector<16xf32>
        %mul3A_846 = arith.mulf %mul3A_845, %get3A_844 : vector<16xf32>
        %add3A_847 = arith.addf %add3A_736, %mul3A_846 : vector<16xf32>
        %mul3A_848 = vector.broadcast %squeeze3A_795 : f32 to vector<16xf32>
        %mul3A_849 = arith.mulf %mul3A_848, %get3A_844 : vector<16xf32>
        %add3A_850 = arith.addf %add3A_739, %mul3A_849 : vector<16xf32>
        %add3A_851 = arith.constant 4 : i32
        %add3A_852 = arith.addi %mul3A_286, %add3A_851 : i32
        %get3A_853 = arith.index_cast %and3A_217 : i32 to index
        %get3A_854 = arith.index_cast %add3A_852 : i32 to index
        %get3A_855 = arith.constant 64 : index
        %get3A_856 = tpu.vector_load %arg12[%get3A_853, %get3A_854, %get3A_855] {strides = array<i32>} : memref<2x320x128xf32, #tpu.memory_space<vmem>>, vector<1x1x16xf32>,
        %get3A_857 = vector.shape_cast %get3A_856 : vector<1x1x16xf32> to vector<16xf32>
        %mul3A_858 = vector.broadcast %squeeze3A_793 : f32 to vector<16xf32>
        %mul3A_859 = arith.mulf %mul3A_858, %get3A_857 : vector<16xf32>
        %add3A_860 = arith.addf %add3A_749, %mul3A_859 : vector<16xf32>
        %mul3A_861 = vector.broadcast %squeeze3A_795 : f32 to vector<16xf32>
        %mul3A_862 = arith.mulf %mul3A_861, %get3A_857 : vector<16xf32>
        %add3A_863 = arith.addf %add3A_752, %mul3A_862 : vector<16xf32>
        %add3A_864 = arith.constant 4 : i32
        %add3A_865 = arith.addi %mul3A_286, %add3A_864 : i32
        %get3A_866 = arith.index_cast %and3A_217 : i32 to index
        %get3A_867 = arith.index_cast %add3A_865 : i32 to index
        %get3A_868 = arith.constant 80 : index
        %get3A_869 = tpu.vector_load %arg12[%get3A_866, %get3A_867, %get3A_868] {strides = array<i32>} : memref<2x320x128xf32, #tpu.memory_space<vmem>>, vector<1x1x16xf32>,
        %get3A_870 = vector.shape_cast %get3A_869 : vector<1x1x16xf32> to vector<16xf32>
        %mul3A_871 = vector.broadcast %squeeze3A_793 : f32 to vector<16xf32>
        %mul3A_872 = arith.mulf %mul3A_871, %get3A_870 : vector<16xf32>
        %add3A_873 = arith.addf %add3A_762, %mul3A_872 : vector<16xf32>
        %mul3A_874 = vector.broadcast %squeeze3A_795 : f32 to vector<16xf32>
        %mul3A_875 = arith.mulf %mul3A_874, %get3A_870 : vector<16xf32>
        %add3A_876 = arith.addf %add3A_765, %mul3A_875 : vector<16xf32>
        %add3A_877 = arith.constant 4 : i32
        %add3A_878 = arith.addi %mul3A_286, %add3A_877 : i32
        %get3A_879 = arith.index_cast %and3A_217 : i32 to index
        %get3A_880 = arith.index_cast %add3A_878 : i32 to index
        %get3A_881 = arith.constant 96 : index
        %get3A_882 = tpu.vector_load %arg12[%get3A_879, %get3A_880, %get3A_881] {strides = array<i32>} : memref<2x320x128xf32, #tpu.memory_space<vmem>>, vector<1x1x16xf32>,
        %get3A_883 = vector.shape_cast %get3A_882 : vector<1x1x16xf32> to vector<16xf32>
        %mul3A_884 = vector.broadcast %squeeze3A_793 : f32 to vector<16xf32>
        %mul3A_885 = arith.mulf %mul3A_884, %get3A_883 : vector<16xf32>
        %add3A_886 = arith.addf %add3A_775, %mul3A_885 : vector<16xf32>
        %mul3A_887 = vector.broadcast %squeeze3A_795 : f32 to vector<16xf32>
        %mul3A_888 = arith.mulf %mul3A_887, %get3A_883 : vector<16xf32>
        %add3A_889 = arith.addf %add3A_778, %mul3A_888 : vector<16xf32>
        %add3A_890 = arith.constant 4 : i32
        %add3A_891 = arith.addi %mul3A_286, %add3A_890 : i32
        %get3A_892 = arith.index_cast %and3A_217 : i32 to index
        %get3A_893 = arith.index_cast %add3A_891 : i32 to index
        %get3A_894 = arith.constant 112 : index
        %get3A_895 = tpu.vector_load %arg12[%get3A_892, %get3A_893, %get3A_894] {strides = array<i32>} : memref<2x320x128xf32, #tpu.memory_space<vmem>>, vector<1x1x16xf32>,
        %get3A_896 = vector.shape_cast %get3A_895 : vector<1x1x16xf32> to vector<16xf32>
        %mul3A_897 = vector.broadcast %squeeze3A_793 : f32 to vector<16xf32>
        %mul3A_898 = arith.mulf %mul3A_897, %get3A_896 : vector<16xf32>
        %add3A_899 = arith.addf %add3A_788, %mul3A_898 : vector<16xf32>
        %mul3A_900 = vector.broadcast %squeeze3A_795 : f32 to vector<16xf32>
        %mul3A_901 = arith.mulf %mul3A_900, %get3A_896 : vector<16xf32>
        %add3A_902 = arith.addf %add3A_791, %mul3A_901 : vector<16xf32>
        %slice3A_903 = vector.extract_strided_slice %mul3A_313 {offsets = [5], sizes = [1], strides = [1]} : vector<16xf32> to vector<1xf32>
        %squeeze3A_904 = vector.extract %slice3A_903[0] : f32 from vector<1xf32>
        %slice3A_905 = vector.extract_strided_slice %mul3A_314 {offsets = [5], sizes = [1], strides = [1]} : vector<16xf32> to vector<1xf32>
        %squeeze3A_906 = vector.extract %slice3A_905[0] : f32 from vector<1xf32>
        %slice3A_907 = vector.extract_strided_slice %select_n3A_310 {offsets = [5], sizes = [1], strides = [1]} : vector<16xf32> to vector<1xf32>
        %squeeze3A_908 = vector.extract %slice3A_907[0] : f32 from vector<1xf32>
        %add3A_909 = arith.addf %add3A_798, %squeeze3A_908 : f32
        %add3A_910 = arith.constant 5 : i32
        %add3A_911 = arith.addi %mul3A_286, %add3A_910 : i32
        %get3A_912 = arith.index_cast %and3A_217 : i32 to index
        %get3A_913 = arith.index_cast %add3A_911 : i32 to index
        %get3A_914 = arith.constant 0 : index
        %get3A_915 = tpu.vector_load %arg12[%get3A_912, %get3A_913, %get3A_914] {strides = array<i32>} : memref<2x320x128xf32, #tpu.memory_space<vmem>>, vector<1x1x16xf32>,
        %get3A_916 = vector.shape_cast %get3A_915 : vector<1x1x16xf32> to vector<16xf32>
        %mul3A_917 = vector.broadcast %squeeze3A_904 : f32 to vector<16xf32>
        %mul3A_918 = arith.mulf %mul3A_917, %get3A_916 : vector<16xf32>
        %add3A_919 = arith.addf %add3A_808, %mul3A_918 : vector<16xf32>
        %mul3A_920 = vector.broadcast %squeeze3A_906 : f32 to vector<16xf32>
        %mul3A_921 = arith.mulf %mul3A_920, %get3A_916 : vector<16xf32>
        %add3A_922 = arith.addf %add3A_811, %mul3A_921 : vector<16xf32>
        %add3A_923 = arith.constant 5 : i32
        %add3A_924 = arith.addi %mul3A_286, %add3A_923 : i32
        %get3A_925 = arith.index_cast %and3A_217 : i32 to index
        %get3A_926 = arith.index_cast %add3A_924 : i32 to index
        %get3A_927 = arith.constant 16 : index
        %get3A_928 = tpu.vector_load %arg12[%get3A_925, %get3A_926, %get3A_927] {strides = array<i32>} : memref<2x320x128xf32, #tpu.memory_space<vmem>>, vector<1x1x16xf32>,
        %get3A_929 = vector.shape_cast %get3A_928 : vector<1x1x16xf32> to vector<16xf32>
        %mul3A_930 = vector.broadcast %squeeze3A_904 : f32 to vector<16xf32>
        %mul3A_931 = arith.mulf %mul3A_930, %get3A_929 : vector<16xf32>
        %add3A_932 = arith.addf %add3A_821, %mul3A_931 : vector<16xf32>
        %mul3A_933 = vector.broadcast %squeeze3A_906 : f32 to vector<16xf32>
        %mul3A_934 = arith.mulf %mul3A_933, %get3A_929 : vector<16xf32>
        %add3A_935 = arith.addf %add3A_824, %mul3A_934 : vector<16xf32>
        %add3A_936 = arith.constant 5 : i32
        %add3A_937 = arith.addi %mul3A_286, %add3A_936 : i32
        %get3A_938 = arith.index_cast %and3A_217 : i32 to index
        %get3A_939 = arith.index_cast %add3A_937 : i32 to index
        %get3A_940 = arith.constant 32 : index
        %get3A_941 = tpu.vector_load %arg12[%get3A_938, %get3A_939, %get3A_940] {strides = array<i32>} : memref<2x320x128xf32, #tpu.memory_space<vmem>>, vector<1x1x16xf32>,
        %get3A_942 = vector.shape_cast %get3A_941 : vector<1x1x16xf32> to vector<16xf32>
        %mul3A_943 = vector.broadcast %squeeze3A_904 : f32 to vector<16xf32>
        %mul3A_944 = arith.mulf %mul3A_943, %get3A_942 : vector<16xf32>
        %add3A_945 = arith.addf %add3A_834, %mul3A_944 : vector<16xf32>
        %mul3A_946 = vector.broadcast %squeeze3A_906 : f32 to vector<16xf32>
        %mul3A_947 = arith.mulf %mul3A_946, %get3A_942 : vector<16xf32>
        %add3A_948 = arith.addf %add3A_837, %mul3A_947 : vector<16xf32>
        %add3A_949 = arith.constant 5 : i32
        %add3A_950 = arith.addi %mul3A_286, %add3A_949 : i32
        %get3A_951 = arith.index_cast %and3A_217 : i32 to index
        %get3A_952 = arith.index_cast %add3A_950 : i32 to index
        %get3A_953 = arith.constant 48 : index
        %get3A_954 = tpu.vector_load %arg12[%get3A_951, %get3A_952, %get3A_953] {strides = array<i32>} : memref<2x320x128xf32, #tpu.memory_space<vmem>>, vector<1x1x16xf32>,
        %get3A_955 = vector.shape_cast %get3A_954 : vector<1x1x16xf32> to vector<16xf32>
        %mul3A_956 = vector.broadcast %squeeze3A_904 : f32 to vector<16xf32>
        %mul3A_957 = arith.mulf %mul3A_956, %get3A_955 : vector<16xf32>
        %add3A_958 = arith.addf %add3A_847, %mul3A_957 : vector<16xf32>
        %mul3A_959 = vector.broadcast %squeeze3A_906 : f32 to vector<16xf32>
        %mul3A_960 = arith.mulf %mul3A_959, %get3A_955 : vector<16xf32>
        %add3A_961 = arith.addf %add3A_850, %mul3A_960 : vector<16xf32>
        %add3A_962 = arith.constant 5 : i32
        %add3A_963 = arith.addi %mul3A_286, %add3A_962 : i32
        %get3A_964 = arith.index_cast %and3A_217 : i32 to index
        %get3A_965 = arith.index_cast %add3A_963 : i32 to index
        %get3A_966 = arith.constant 64 : index
        %get3A_967 = tpu.vector_load %arg12[%get3A_964, %get3A_965, %get3A_966] {strides = array<i32>} : memref<2x320x128xf32, #tpu.memory_space<vmem>>, vector<1x1x16xf32>,
        %get3A_968 = vector.shape_cast %get3A_967 : vector<1x1x16xf32> to vector<16xf32>
        %mul3A_969 = vector.broadcast %squeeze3A_904 : f32 to vector<16xf32>
        %mul3A_970 = arith.mulf %mul3A_969, %get3A_968 : vector<16xf32>
        %add3A_971 = arith.addf %add3A_860, %mul3A_970 : vector<16xf32>
        %mul3A_972 = vector.broadcast %squeeze3A_906 : f32 to vector<16xf32>
        %mul3A_973 = arith.mulf %mul3A_972, %get3A_968 : vector<16xf32>
        %add3A_974 = arith.addf %add3A_863, %mul3A_973 : vector<16xf32>
        %add3A_975 = arith.constant 5 : i32
        %add3A_976 = arith.addi %mul3A_286, %add3A_975 : i32
        %get3A_977 = arith.index_cast %and3A_217 : i32 to index
        %get3A_978 = arith.index_cast %add3A_976 : i32 to index
        %get3A_979 = arith.constant 80 : index
        %get3A_980 = tpu.vector_load %arg12[%get3A_977, %get3A_978, %get3A_979] {strides = array<i32>} : memref<2x320x128xf32, #tpu.memory_space<vmem>>, vector<1x1x16xf32>,
        %get3A_981 = vector.shape_cast %get3A_980 : vector<1x1x16xf32> to vector<16xf32>
        %mul3A_982 = vector.broadcast %squeeze3A_904 : f32 to vector<16xf32>
        %mul3A_983 = arith.mulf %mul3A_982, %get3A_981 : vector<16xf32>
        %add3A_984 = arith.addf %add3A_873, %mul3A_983 : vector<16xf32>
        %mul3A_985 = vector.broadcast %squeeze3A_906 : f32 to vector<16xf32>
        %mul3A_986 = arith.mulf %mul3A_985, %get3A_981 : vector<16xf32>
        %add3A_987 = arith.addf %add3A_876, %mul3A_986 : vector<16xf32>
        %add3A_988 = arith.constant 5 : i32
        %add3A_989 = arith.addi %mul3A_286, %add3A_988 : i32
        %get3A_990 = arith.index_cast %and3A_217 : i32 to index
        %get3A_991 = arith.index_cast %add3A_989 : i32 to index
        %get3A_992 = arith.constant 96 : index
        %get3A_993 = tpu.vector_load %arg12[%get3A_990, %get3A_991, %get3A_992] {strides = array<i32>} : memref<2x320x128xf32, #tpu.memory_space<vmem>>, vector<1x1x16xf32>,
        %get3A_994 = vector.shape_cast %get3A_993 : vector<1x1x16xf32> to vector<16xf32>
        %mul3A_995 = vector.broadcast %squeeze3A_904 : f32 to vector<16xf32>
        %mul3A_996 = arith.mulf %mul3A_995, %get3A_994 : vector<16xf32>
        %add3A_997 = arith.addf %add3A_886, %mul3A_996 : vector<16xf32>
        %mul3A_998 = vector.broadcast %squeeze3A_906 : f32 to vector<16xf32>
        %mul3A_999 = arith.mulf %mul3A_998, %get3A_994 : vector<16xf32>
        %add3A_1000 = arith.addf %add3A_889, %mul3A_999 : vector<16xf32>
        %add3A_1001 = arith.constant 5 : i32
        %add3A_1002 = arith.addi %mul3A_286, %add3A_1001 : i32
        %get3A_1003 = arith.index_cast %and3A_217 : i32 to index
        %get3A_1004 = arith.index_cast %add3A_1002 : i32 to index
        %get3A_1005 = arith.constant 112 : index
        %get3A_1006 = tpu.vector_load %arg12[%get3A_1003, %get3A_1004, %get3A_1005] {strides = array<i32>} : memref<2x320x128xf32, #tpu.memory_space<vmem>>, vector<1x1x16xf32>,
        %get3A_1007 = vector.shape_cast %get3A_1006 : vector<1x1x16xf32> to vector<16xf32>
        %mul3A_1008 = vector.broadcast %squeeze3A_904 : f32 to vector<16xf32>
        %mul3A_1009 = arith.mulf %mul3A_1008, %get3A_1007 : vector<16xf32>
        %add3A_1010 = arith.addf %add3A_899, %mul3A_1009 : vector<16xf32>
        %mul3A_1011 = vector.broadcast %squeeze3A_906 : f32 to vector<16xf32>
        %mul3A_1012 = arith.mulf %mul3A_1011, %get3A_1007 : vector<16xf32>
        %add3A_1013 = arith.addf %add3A_902, %mul3A_1012 : vector<16xf32>
        %slice3A_1014 = vector.extract_strided_slice %mul3A_313 {offsets = [6], sizes = [1], strides = [1]} : vector<16xf32> to vector<1xf32>
        %squeeze3A_1015 = vector.extract %slice3A_1014[0] : f32 from vector<1xf32>
        %slice3A_1016 = vector.extract_strided_slice %mul3A_314 {offsets = [6], sizes = [1], strides = [1]} : vector<16xf32> to vector<1xf32>
        %squeeze3A_1017 = vector.extract %slice3A_1016[0] : f32 from vector<1xf32>
        %slice3A_1018 = vector.extract_strided_slice %select_n3A_310 {offsets = [6], sizes = [1], strides = [1]} : vector<16xf32> to vector<1xf32>
        %squeeze3A_1019 = vector.extract %slice3A_1018[0] : f32 from vector<1xf32>
        %add3A_1020 = arith.addf %add3A_909, %squeeze3A_1019 : f32
        %add3A_1021 = arith.constant 6 : i32
        %add3A_1022 = arith.addi %mul3A_286, %add3A_1021 : i32
        %get3A_1023 = arith.index_cast %and3A_217 : i32 to index
        %get3A_1024 = arith.index_cast %add3A_1022 : i32 to index
        %get3A_1025 = arith.constant 0 : index
        %get3A_1026 = tpu.vector_load %arg12[%get3A_1023, %get3A_1024, %get3A_1025] {strides = array<i32>} : memref<2x320x128xf32, #tpu.memory_space<vmem>>, vector<1x1x16xf32>,
        %get3A_1027 = vector.shape_cast %get3A_1026 : vector<1x1x16xf32> to vector<16xf32>
        %mul3A_1028 = vector.broadcast %squeeze3A_1015 : f32 to vector<16xf32>
        %mul3A_1029 = arith.mulf %mul3A_1028, %get3A_1027 : vector<16xf32>
        %add3A_1030 = arith.addf %add3A_919, %mul3A_1029 : vector<16xf32>
        %mul3A_1031 = vector.broadcast %squeeze3A_1017 : f32 to vector<16xf32>
        %mul3A_1032 = arith.mulf %mul3A_1031, %get3A_1027 : vector<16xf32>
        %add3A_1033 = arith.addf %add3A_922, %mul3A_1032 : vector<16xf32>
        %add3A_1034 = arith.constant 6 : i32
        %add3A_1035 = arith.addi %mul3A_286, %add3A_1034 : i32
        %get3A_1036 = arith.index_cast %and3A_217 : i32 to index
        %get3A_1037 = arith.index_cast %add3A_1035 : i32 to index
        %get3A_1038 = arith.constant 16 : index
        %get3A_1039 = tpu.vector_load %arg12[%get3A_1036, %get3A_1037, %get3A_1038] {strides = array<i32>} : memref<2x320x128xf32, #tpu.memory_space<vmem>>, vector<1x1x16xf32>,
        %get3A_1040 = vector.shape_cast %get3A_1039 : vector<1x1x16xf32> to vector<16xf32>
        %mul3A_1041 = vector.broadcast %squeeze3A_1015 : f32 to vector<16xf32>
        %mul3A_1042 = arith.mulf %mul3A_1041, %get3A_1040 : vector<16xf32>
        %add3A_1043 = arith.addf %add3A_932, %mul3A_1042 : vector<16xf32>
        %mul3A_1044 = vector.broadcast %squeeze3A_1017 : f32 to vector<16xf32>
        %mul3A_1045 = arith.mulf %mul3A_1044, %get3A_1040 : vector<16xf32>
        %add3A_1046 = arith.addf %add3A_935, %mul3A_1045 : vector<16xf32>
        %add3A_1047 = arith.constant 6 : i32
        %add3A_1048 = arith.addi %mul3A_286, %add3A_1047 : i32
        %get3A_1049 = arith.index_cast %and3A_217 : i32 to index
        %get3A_1050 = arith.index_cast %add3A_1048 : i32 to index
        %get3A_1051 = arith.constant 32 : index
        %get3A_1052 = tpu.vector_load %arg12[%get3A_1049, %get3A_1050, %get3A_1051] {strides = array<i32>} : memref<2x320x128xf32, #tpu.memory_space<vmem>>, vector<1x1x16xf32>,
        %get3A_1053 = vector.shape_cast %get3A_1052 : vector<1x1x16xf32> to vector<16xf32>
        %mul3A_1054 = vector.broadcast %squeeze3A_1015 : f32 to vector<16xf32>
        %mul3A_1055 = arith.mulf %mul3A_1054, %get3A_1053 : vector<16xf32>
        %add3A_1056 = arith.addf %add3A_945, %mul3A_1055 : vector<16xf32>
        %mul3A_1057 = vector.broadcast %squeeze3A_1017 : f32 to vector<16xf32>
        %mul3A_1058 = arith.mulf %mul3A_1057, %get3A_1053 : vector<16xf32>
        %add3A_1059 = arith.addf %add3A_948, %mul3A_1058 : vector<16xf32>
        %add3A_1060 = arith.constant 6 : i32
        %add3A_1061 = arith.addi %mul3A_286, %add3A_1060 : i32
        %get3A_1062 = arith.index_cast %and3A_217 : i32 to index
        %get3A_1063 = arith.index_cast %add3A_1061 : i32 to index
        %get3A_1064 = arith.constant 48 : index
        %get3A_1065 = tpu.vector_load %arg12[%get3A_1062, %get3A_1063, %get3A_1064] {strides = array<i32>} : memref<2x320x128xf32, #tpu.memory_space<vmem>>, vector<1x1x16xf32>,
        %get3A_1066 = vector.shape_cast %get3A_1065 : vector<1x1x16xf32> to vector<16xf32>
        %mul3A_1067 = vector.broadcast %squeeze3A_1015 : f32 to vector<16xf32>
        %mul3A_1068 = arith.mulf %mul3A_1067, %get3A_1066 : vector<16xf32>
        %add3A_1069 = arith.addf %add3A_958, %mul3A_1068 : vector<16xf32>
        %mul3A_1070 = vector.broadcast %squeeze3A_1017 : f32 to vector<16xf32>
        %mul3A_1071 = arith.mulf %mul3A_1070, %get3A_1066 : vector<16xf32>
        %add3A_1072 = arith.addf %add3A_961, %mul3A_1071 : vector<16xf32>
        %add3A_1073 = arith.constant 6 : i32
        %add3A_1074 = arith.addi %mul3A_286, %add3A_1073 : i32
        %get3A_1075 = arith.index_cast %and3A_217 : i32 to index
        %get3A_1076 = arith.index_cast %add3A_1074 : i32 to index
        %get3A_1077 = arith.constant 64 : index
        %get3A_1078 = tpu.vector_load %arg12[%get3A_1075, %get3A_1076, %get3A_1077] {strides = array<i32>} : memref<2x320x128xf32, #tpu.memory_space<vmem>>, vector<1x1x16xf32>,
        %get3A_1079 = vector.shape_cast %get3A_1078 : vector<1x1x16xf32> to vector<16xf32>
        %mul3A_1080 = vector.broadcast %squeeze3A_1015 : f32 to vector<16xf32>
        %mul3A_1081 = arith.mulf %mul3A_1080, %get3A_1079 : vector<16xf32>
        %add3A_1082 = arith.addf %add3A_971, %mul3A_1081 : vector<16xf32>
        %mul3A_1083 = vector.broadcast %squeeze3A_1017 : f32 to vector<16xf32>
        %mul3A_1084 = arith.mulf %mul3A_1083, %get3A_1079 : vector<16xf32>
        %add3A_1085 = arith.addf %add3A_974, %mul3A_1084 : vector<16xf32>
        %add3A_1086 = arith.constant 6 : i32
        %add3A_1087 = arith.addi %mul3A_286, %add3A_1086 : i32
        %get3A_1088 = arith.index_cast %and3A_217 : i32 to index
        %get3A_1089 = arith.index_cast %add3A_1087 : i32 to index
        %get3A_1090 = arith.constant 80 : index
        %get3A_1091 = tpu.vector_load %arg12[%get3A_1088, %get3A_1089, %get3A_1090] {strides = array<i32>} : memref<2x320x128xf32, #tpu.memory_space<vmem>>, vector<1x1x16xf32>,
        %get3A_1092 = vector.shape_cast %get3A_1091 : vector<1x1x16xf32> to vector<16xf32>
        %mul3A_1093 = vector.broadcast %squeeze3A_1015 : f32 to vector<16xf32>
        %mul3A_1094 = arith.mulf %mul3A_1093, %get3A_1092 : vector<16xf32>
        %add3A_1095 = arith.addf %add3A_984, %mul3A_1094 : vector<16xf32>
        %mul3A_1096 = vector.broadcast %squeeze3A_1017 : f32 to vector<16xf32>
        %mul3A_1097 = arith.mulf %mul3A_1096, %get3A_1092 : vector<16xf32>
        %add3A_1098 = arith.addf %add3A_987, %mul3A_1097 : vector<16xf32>
        %add3A_1099 = arith.constant 6 : i32
        %add3A_1100 = arith.addi %mul3A_286, %add3A_1099 : i32
        %get3A_1101 = arith.index_cast %and3A_217 : i32 to index
        %get3A_1102 = arith.index_cast %add3A_1100 : i32 to index
        %get3A_1103 = arith.constant 96 : index
        %get3A_1104 = tpu.vector_load %arg12[%get3A_1101, %get3A_1102, %get3A_1103] {strides = array<i32>} : memref<2x320x128xf32, #tpu.memory_space<vmem>>, vector<1x1x16xf32>,
        %get3A_1105 = vector.shape_cast %get3A_1104 : vector<1x1x16xf32> to vector<16xf32>
        %mul3A_1106 = vector.broadcast %squeeze3A_1015 : f32 to vector<16xf32>
        %mul3A_1107 = arith.mulf %mul3A_1106, %get3A_1105 : vector<16xf32>
        %add3A_1108 = arith.addf %add3A_997, %mul3A_1107 : vector<16xf32>
        %mul3A_1109 = vector.broadcast %squeeze3A_1017 : f32 to vector<16xf32>
        %mul3A_1110 = arith.mulf %mul3A_1109, %get3A_1105 : vector<16xf32>
        %add3A_1111 = arith.addf %add3A_1000, %mul3A_1110 : vector<16xf32>
        %add3A_1112 = arith.constant 6 : i32
        %add3A_1113 = arith.addi %mul3A_286, %add3A_1112 : i32
        %get3A_1114 = arith.index_cast %and3A_217 : i32 to index
        %get3A_1115 = arith.index_cast %add3A_1113 : i32 to index
        %get3A_1116 = arith.constant 112 : index
        %get3A_1117 = tpu.vector_load %arg12[%get3A_1114, %get3A_1115, %get3A_1116] {strides = array<i32>} : memref<2x320x128xf32, #tpu.memory_space<vmem>>, vector<1x1x16xf32>,
        %get3A_1118 = vector.shape_cast %get3A_1117 : vector<1x1x16xf32> to vector<16xf32>
        %mul3A_1119 = vector.broadcast %squeeze3A_1015 : f32 to vector<16xf32>
        %mul3A_1120 = arith.mulf %mul3A_1119, %get3A_1118 : vector<16xf32>
        %add3A_1121 = arith.addf %add3A_1010, %mul3A_1120 : vector<16xf32>
        %mul3A_1122 = vector.broadcast %squeeze3A_1017 : f32 to vector<16xf32>
        %mul3A_1123 = arith.mulf %mul3A_1122, %get3A_1118 : vector<16xf32>
        %add3A_1124 = arith.addf %add3A_1013, %mul3A_1123 : vector<16xf32>
        %slice3A_1125 = vector.extract_strided_slice %mul3A_313 {offsets = [7], sizes = [1], strides = [1]} : vector<16xf32> to vector<1xf32>
        %squeeze3A_1126 = vector.extract %slice3A_1125[0] : f32 from vector<1xf32>
        %slice3A_1127 = vector.extract_strided_slice %mul3A_314 {offsets = [7], sizes = [1], strides = [1]} : vector<16xf32> to vector<1xf32>
        %squeeze3A_1128 = vector.extract %slice3A_1127[0] : f32 from vector<1xf32>
        %slice3A_1129 = vector.extract_strided_slice %select_n3A_310 {offsets = [7], sizes = [1], strides = [1]} : vector<16xf32> to vector<1xf32>
        %squeeze3A_1130 = vector.extract %slice3A_1129[0] : f32 from vector<1xf32>
        %add3A_1131 = arith.addf %add3A_1020, %squeeze3A_1130 : f32
        %add3A_1132 = arith.constant 7 : i32
        %add3A_1133 = arith.addi %mul3A_286, %add3A_1132 : i32
        %get3A_1134 = arith.index_cast %and3A_217 : i32 to index
        %get3A_1135 = arith.index_cast %add3A_1133 : i32 to index
        %get3A_1136 = arith.constant 0 : index
        %get3A_1137 = tpu.vector_load %arg12[%get3A_1134, %get3A_1135, %get3A_1136] {strides = array<i32>} : memref<2x320x128xf32, #tpu.memory_space<vmem>>, vector<1x1x16xf32>,
        %get3A_1138 = vector.shape_cast %get3A_1137 : vector<1x1x16xf32> to vector<16xf32>
        %mul3A_1139 = vector.broadcast %squeeze3A_1126 : f32 to vector<16xf32>
        %mul3A_1140 = arith.mulf %mul3A_1139, %get3A_1138 : vector<16xf32>
        %add3A_1141 = arith.addf %add3A_1030, %mul3A_1140 : vector<16xf32>
        %mul3A_1142 = vector.broadcast %squeeze3A_1128 : f32 to vector<16xf32>
        %mul3A_1143 = arith.mulf %mul3A_1142, %get3A_1138 : vector<16xf32>
        %add3A_1144 = arith.addf %add3A_1033, %mul3A_1143 : vector<16xf32>
        %add3A_1145 = arith.constant 7 : i32
        %add3A_1146 = arith.addi %mul3A_286, %add3A_1145 : i32
        %get3A_1147 = arith.index_cast %and3A_217 : i32 to index
        %get3A_1148 = arith.index_cast %add3A_1146 : i32 to index
        %get3A_1149 = arith.constant 16 : index
        %get3A_1150 = tpu.vector_load %arg12[%get3A_1147, %get3A_1148, %get3A_1149] {strides = array<i32>} : memref<2x320x128xf32, #tpu.memory_space<vmem>>, vector<1x1x16xf32>,
        %get3A_1151 = vector.shape_cast %get3A_1150 : vector<1x1x16xf32> to vector<16xf32>
        %mul3A_1152 = vector.broadcast %squeeze3A_1126 : f32 to vector<16xf32>
        %mul3A_1153 = arith.mulf %mul3A_1152, %get3A_1151 : vector<16xf32>
        %add3A_1154 = arith.addf %add3A_1043, %mul3A_1153 : vector<16xf32>
        %mul3A_1155 = vector.broadcast %squeeze3A_1128 : f32 to vector<16xf32>
        %mul3A_1156 = arith.mulf %mul3A_1155, %get3A_1151 : vector<16xf32>
        %add3A_1157 = arith.addf %add3A_1046, %mul3A_1156 : vector<16xf32>
        %add3A_1158 = arith.constant 7 : i32
        %add3A_1159 = arith.addi %mul3A_286, %add3A_1158 : i32
        %get3A_1160 = arith.index_cast %and3A_217 : i32 to index
        %get3A_1161 = arith.index_cast %add3A_1159 : i32 to index
        %get3A_1162 = arith.constant 32 : index
        %get3A_1163 = tpu.vector_load %arg12[%get3A_1160, %get3A_1161, %get3A_1162] {strides = array<i32>} : memref<2x320x128xf32, #tpu.memory_space<vmem>>, vector<1x1x16xf32>,
        %get3A_1164 = vector.shape_cast %get3A_1163 : vector<1x1x16xf32> to vector<16xf32>
        %mul3A_1165 = vector.broadcast %squeeze3A_1126 : f32 to vector<16xf32>
        %mul3A_1166 = arith.mulf %mul3A_1165, %get3A_1164 : vector<16xf32>
        %add3A_1167 = arith.addf %add3A_1056, %mul3A_1166 : vector<16xf32>
        %mul3A_1168 = vector.broadcast %squeeze3A_1128 : f32 to vector<16xf32>
        %mul3A_1169 = arith.mulf %mul3A_1168, %get3A_1164 : vector<16xf32>
        %add3A_1170 = arith.addf %add3A_1059, %mul3A_1169 : vector<16xf32>
        %add3A_1171 = arith.constant 7 : i32
        %add3A_1172 = arith.addi %mul3A_286, %add3A_1171 : i32
        %get3A_1173 = arith.index_cast %and3A_217 : i32 to index
        %get3A_1174 = arith.index_cast %add3A_1172 : i32 to index
        %get3A_1175 = arith.constant 48 : index
        %get3A_1176 = tpu.vector_load %arg12[%get3A_1173, %get3A_1174, %get3A_1175] {strides = array<i32>} : memref<2x320x128xf32, #tpu.memory_space<vmem>>, vector<1x1x16xf32>,
        %get3A_1177 = vector.shape_cast %get3A_1176 : vector<1x1x16xf32> to vector<16xf32>
        %mul3A_1178 = vector.broadcast %squeeze3A_1126 : f32 to vector<16xf32>
        %mul3A_1179 = arith.mulf %mul3A_1178, %get3A_1177 : vector<16xf32>
        %add3A_1180 = arith.addf %add3A_1069, %mul3A_1179 : vector<16xf32>
        %mul3A_1181 = vector.broadcast %squeeze3A_1128 : f32 to vector<16xf32>
        %mul3A_1182 = arith.mulf %mul3A_1181, %get3A_1177 : vector<16xf32>
        %add3A_1183 = arith.addf %add3A_1072, %mul3A_1182 : vector<16xf32>
        %add3A_1184 = arith.constant 7 : i32
        %add3A_1185 = arith.addi %mul3A_286, %add3A_1184 : i32
        %get3A_1186 = arith.index_cast %and3A_217 : i32 to index
        %get3A_1187 = arith.index_cast %add3A_1185 : i32 to index
        %get3A_1188 = arith.constant 64 : index
        %get3A_1189 = tpu.vector_load %arg12[%get3A_1186, %get3A_1187, %get3A_1188] {strides = array<i32>} : memref<2x320x128xf32, #tpu.memory_space<vmem>>, vector<1x1x16xf32>,
        %get3A_1190 = vector.shape_cast %get3A_1189 : vector<1x1x16xf32> to vector<16xf32>
        %mul3A_1191 = vector.broadcast %squeeze3A_1126 : f32 to vector<16xf32>
        %mul3A_1192 = arith.mulf %mul3A_1191, %get3A_1190 : vector<16xf32>
        %add3A_1193 = arith.addf %add3A_1082, %mul3A_1192 : vector<16xf32>
        %mul3A_1194 = vector.broadcast %squeeze3A_1128 : f32 to vector<16xf32>
        %mul3A_1195 = arith.mulf %mul3A_1194, %get3A_1190 : vector<16xf32>
        %add3A_1196 = arith.addf %add3A_1085, %mul3A_1195 : vector<16xf32>
        %add3A_1197 = arith.constant 7 : i32
        %add3A_1198 = arith.addi %mul3A_286, %add3A_1197 : i32
        %get3A_1199 = arith.index_cast %and3A_217 : i32 to index
        %get3A_1200 = arith.index_cast %add3A_1198 : i32 to index
        %get3A_1201 = arith.constant 80 : index
        %get3A_1202 = tpu.vector_load %arg12[%get3A_1199, %get3A_1200, %get3A_1201] {strides = array<i32>} : memref<2x320x128xf32, #tpu.memory_space<vmem>>, vector<1x1x16xf32>,
        %get3A_1203 = vector.shape_cast %get3A_1202 : vector<1x1x16xf32> to vector<16xf32>
        %mul3A_1204 = vector.broadcast %squeeze3A_1126 : f32 to vector<16xf32>
        %mul3A_1205 = arith.mulf %mul3A_1204, %get3A_1203 : vector<16xf32>
        %add3A_1206 = arith.addf %add3A_1095, %mul3A_1205 : vector<16xf32>
        %mul3A_1207 = vector.broadcast %squeeze3A_1128 : f32 to vector<16xf32>
        %mul3A_1208 = arith.mulf %mul3A_1207, %get3A_1203 : vector<16xf32>
        %add3A_1209 = arith.addf %add3A_1098, %mul3A_1208 : vector<16xf32>
        %add3A_1210 = arith.constant 7 : i32
        %add3A_1211 = arith.addi %mul3A_286, %add3A_1210 : i32
        %get3A_1212 = arith.index_cast %and3A_217 : i32 to index
        %get3A_1213 = arith.index_cast %add3A_1211 : i32 to index
        %get3A_1214 = arith.constant 96 : index
        %get3A_1215 = tpu.vector_load %arg12[%get3A_1212, %get3A_1213, %get3A_1214] {strides = array<i32>} : memref<2x320x128xf32, #tpu.memory_space<vmem>>, vector<1x1x16xf32>,
        %get3A_1216 = vector.shape_cast %get3A_1215 : vector<1x1x16xf32> to vector<16xf32>
        %mul3A_1217 = vector.broadcast %squeeze3A_1126 : f32 to vector<16xf32>
        %mul3A_1218 = arith.mulf %mul3A_1217, %get3A_1216 : vector<16xf32>
        %add3A_1219 = arith.addf %add3A_1108, %mul3A_1218 : vector<16xf32>
        %mul3A_1220 = vector.broadcast %squeeze3A_1128 : f32 to vector<16xf32>
        %mul3A_1221 = arith.mulf %mul3A_1220, %get3A_1216 : vector<16xf32>
        %add3A_1222 = arith.addf %add3A_1111, %mul3A_1221 : vector<16xf32>
        %add3A_1223 = arith.constant 7 : i32
        %add3A_1224 = arith.addi %mul3A_286, %add3A_1223 : i32
        %get3A_1225 = arith.index_cast %and3A_217 : i32 to index
        %get3A_1226 = arith.index_cast %add3A_1224 : i32 to index
        %get3A_1227 = arith.constant 112 : index
        %get3A_1228 = tpu.vector_load %arg12[%get3A_1225, %get3A_1226, %get3A_1227] {strides = array<i32>} : memref<2x320x128xf32, #tpu.memory_space<vmem>>, vector<1x1x16xf32>,
        %get3A_1229 = vector.shape_cast %get3A_1228 : vector<1x1x16xf32> to vector<16xf32>
        %mul3A_1230 = vector.broadcast %squeeze3A_1126 : f32 to vector<16xf32>
        %mul3A_1231 = arith.mulf %mul3A_1230, %get3A_1229 : vector<16xf32>
        %add3A_1232 = arith.addf %add3A_1121, %mul3A_1231 : vector<16xf32>
        %mul3A_1233 = vector.broadcast %squeeze3A_1128 : f32 to vector<16xf32>
        %mul3A_1234 = arith.mulf %mul3A_1233, %get3A_1229 : vector<16xf32>
        %add3A_1235 = arith.addf %add3A_1124, %mul3A_1234 : vector<16xf32>
        %slice3A_1236 = vector.extract_strided_slice %mul3A_313 {offsets = [8], sizes = [1], strides = [1]} : vector<16xf32> to vector<1xf32>
        %squeeze3A_1237 = vector.extract %slice3A_1236[0] : f32 from vector<1xf32>
        %slice3A_1238 = vector.extract_strided_slice %mul3A_314 {offsets = [8], sizes = [1], strides = [1]} : vector<16xf32> to vector<1xf32>
        %squeeze3A_1239 = vector.extract %slice3A_1238[0] : f32 from vector<1xf32>
        %slice3A_1240 = vector.extract_strided_slice %select_n3A_310 {offsets = [8], sizes = [1], strides = [1]} : vector<16xf32> to vector<1xf32>
        %squeeze3A_1241 = vector.extract %slice3A_1240[0] : f32 from vector<1xf32>
        %add3A_1242 = arith.addf %add3A_1131, %squeeze3A_1241 : f32
        %add3A_1243 = arith.constant 8 : i32
        %add3A_1244 = arith.addi %mul3A_286, %add3A_1243 : i32
        %get3A_1245 = arith.index_cast %and3A_217 : i32 to index
        %get3A_1246 = arith.index_cast %add3A_1244 : i32 to index
        %get3A_1247 = arith.constant 0 : index
        %get3A_1248 = tpu.vector_load %arg12[%get3A_1245, %get3A_1246, %get3A_1247] {strides = array<i32>} : memref<2x320x128xf32, #tpu.memory_space<vmem>>, vector<1x1x16xf32>,
        %get3A_1249 = vector.shape_cast %get3A_1248 : vector<1x1x16xf32> to vector<16xf32>
        %mul3A_1250 = vector.broadcast %squeeze3A_1237 : f32 to vector<16xf32>
        %mul3A_1251 = arith.mulf %mul3A_1250, %get3A_1249 : vector<16xf32>
        %add3A_1252 = arith.addf %add3A_1141, %mul3A_1251 : vector<16xf32>
        %mul3A_1253 = vector.broadcast %squeeze3A_1239 : f32 to vector<16xf32>
        %mul3A_1254 = arith.mulf %mul3A_1253, %get3A_1249 : vector<16xf32>
        %add3A_1255 = arith.addf %add3A_1144, %mul3A_1254 : vector<16xf32>
        %add3A_1256 = arith.constant 8 : i32
        %add3A_1257 = arith.addi %mul3A_286, %add3A_1256 : i32
        %get3A_1258 = arith.index_cast %and3A_217 : i32 to index
        %get3A_1259 = arith.index_cast %add3A_1257 : i32 to index
        %get3A_1260 = arith.constant 16 : index
        %get3A_1261 = tpu.vector_load %arg12[%get3A_1258, %get3A_1259, %get3A_1260] {strides = array<i32>} : memref<2x320x128xf32, #tpu.memory_space<vmem>>, vector<1x1x16xf32>,
        %get3A_1262 = vector.shape_cast %get3A_1261 : vector<1x1x16xf32> to vector<16xf32>
        %mul3A_1263 = vector.broadcast %squeeze3A_1237 : f32 to vector<16xf32>
        %mul3A_1264 = arith.mulf %mul3A_1263, %get3A_1262 : vector<16xf32>
        %add3A_1265 = arith.addf %add3A_1154, %mul3A_1264 : vector<16xf32>
        %mul3A_1266 = vector.broadcast %squeeze3A_1239 : f32 to vector<16xf32>
        %mul3A_1267 = arith.mulf %mul3A_1266, %get3A_1262 : vector<16xf32>
        %add3A_1268 = arith.addf %add3A_1157, %mul3A_1267 : vector<16xf32>
        %add3A_1269 = arith.constant 8 : i32
        %add3A_1270 = arith.addi %mul3A_286, %add3A_1269 : i32
        %get3A_1271 = arith.index_cast %and3A_217 : i32 to index
        %get3A_1272 = arith.index_cast %add3A_1270 : i32 to index
        %get3A_1273 = arith.constant 32 : index
        %get3A_1274 = tpu.vector_load %arg12[%get3A_1271, %get3A_1272, %get3A_1273] {strides = array<i32>} : memref<2x320x128xf32, #tpu.memory_space<vmem>>, vector<1x1x16xf32>,
        %get3A_1275 = vector.shape_cast %get3A_1274 : vector<1x1x16xf32> to vector<16xf32>
        %mul3A_1276 = vector.broadcast %squeeze3A_1237 : f32 to vector<16xf32>
        %mul3A_1277 = arith.mulf %mul3A_1276, %get3A_1275 : vector<16xf32>
        %add3A_1278 = arith.addf %add3A_1167, %mul3A_1277 : vector<16xf32>
        %mul3A_1279 = vector.broadcast %squeeze3A_1239 : f32 to vector<16xf32>
        %mul3A_1280 = arith.mulf %mul3A_1279, %get3A_1275 : vector<16xf32>
        %add3A_1281 = arith.addf %add3A_1170, %mul3A_1280 : vector<16xf32>
        %add3A_1282 = arith.constant 8 : i32
        %add3A_1283 = arith.addi %mul3A_286, %add3A_1282 : i32
        %get3A_1284 = arith.index_cast %and3A_217 : i32 to index
        %get3A_1285 = arith.index_cast %add3A_1283 : i32 to index
        %get3A_1286 = arith.constant 48 : index
        %get3A_1287 = tpu.vector_load %arg12[%get3A_1284, %get3A_1285, %get3A_1286] {strides = array<i32>} : memref<2x320x128xf32, #tpu.memory_space<vmem>>, vector<1x1x16xf32>,
        %get3A_1288 = vector.shape_cast %get3A_1287 : vector<1x1x16xf32> to vector<16xf32>
        %mul3A_1289 = vector.broadcast %squeeze3A_1237 : f32 to vector<16xf32>
        %mul3A_1290 = arith.mulf %mul3A_1289, %get3A_1288 : vector<16xf32>
        %add3A_1291 = arith.addf %add3A_1180, %mul3A_1290 : vector<16xf32>
        %mul3A_1292 = vector.broadcast %squeeze3A_1239 : f32 to vector<16xf32>
        %mul3A_1293 = arith.mulf %mul3A_1292, %get3A_1288 : vector<16xf32>
        %add3A_1294 = arith.addf %add3A_1183, %mul3A_1293 : vector<16xf32>
        %add3A_1295 = arith.constant 8 : i32
        %add3A_1296 = arith.addi %mul3A_286, %add3A_1295 : i32
        %get3A_1297 = arith.index_cast %and3A_217 : i32 to index
        %get3A_1298 = arith.index_cast %add3A_1296 : i32 to index
        %get3A_1299 = arith.constant 64 : index
        %get3A_1300 = tpu.vector_load %arg12[%get3A_1297, %get3A_1298, %get3A_1299] {strides = array<i32>} : memref<2x320x128xf32, #tpu.memory_space<vmem>>, vector<1x1x16xf32>,
        %get3A_1301 = vector.shape_cast %get3A_1300 : vector<1x1x16xf32> to vector<16xf32>
        %mul3A_1302 = vector.broadcast %squeeze3A_1237 : f32 to vector<16xf32>
        %mul3A_1303 = arith.mulf %mul3A_1302, %get3A_1301 : vector<16xf32>
        %add3A_1304 = arith.addf %add3A_1193, %mul3A_1303 : vector<16xf32>
        %mul3A_1305 = vector.broadcast %squeeze3A_1239 : f32 to vector<16xf32>
        %mul3A_1306 = arith.mulf %mul3A_1305, %get3A_1301 : vector<16xf32>
        %add3A_1307 = arith.addf %add3A_1196, %mul3A_1306 : vector<16xf32>
        %add3A_1308 = arith.constant 8 : i32
        %add3A_1309 = arith.addi %mul3A_286, %add3A_1308 : i32
        %get3A_1310 = arith.index_cast %and3A_217 : i32 to index
        %get3A_1311 = arith.index_cast %add3A_1309 : i32 to index
        %get3A_1312 = arith.constant 80 : index
        %get3A_1313 = tpu.vector_load %arg12[%get3A_1310, %get3A_1311, %get3A_1312] {strides = array<i32>} : memref<2x320x128xf32, #tpu.memory_space<vmem>>, vector<1x1x16xf32>,
        %get3A_1314 = vector.shape_cast %get3A_1313 : vector<1x1x16xf32> to vector<16xf32>
        %mul3A_1315 = vector.broadcast %squeeze3A_1237 : f32 to vector<16xf32>
        %mul3A_1316 = arith.mulf %mul3A_1315, %get3A_1314 : vector<16xf32>
        %add3A_1317 = arith.addf %add3A_1206, %mul3A_1316 : vector<16xf32>
        %mul3A_1318 = vector.broadcast %squeeze3A_1239 : f32 to vector<16xf32>
        %mul3A_1319 = arith.mulf %mul3A_1318, %get3A_1314 : vector<16xf32>
        %add3A_1320 = arith.addf %add3A_1209, %mul3A_1319 : vector<16xf32>
        %add3A_1321 = arith.constant 8 : i32
        %add3A_1322 = arith.addi %mul3A_286, %add3A_1321 : i32
        %get3A_1323 = arith.index_cast %and3A_217 : i32 to index
        %get3A_1324 = arith.index_cast %add3A_1322 : i32 to index
        %get3A_1325 = arith.constant 96 : index
        %get3A_1326 = tpu.vector_load %arg12[%get3A_1323, %get3A_1324, %get3A_1325] {strides = array<i32>} : memref<2x320x128xf32, #tpu.memory_space<vmem>>, vector<1x1x16xf32>,
        %get3A_1327 = vector.shape_cast %get3A_1326 : vector<1x1x16xf32> to vector<16xf32>
        %mul3A_1328 = vector.broadcast %squeeze3A_1237 : f32 to vector<16xf32>
        %mul3A_1329 = arith.mulf %mul3A_1328, %get3A_1327 : vector<16xf32>
        %add3A_1330 = arith.addf %add3A_1219, %mul3A_1329 : vector<16xf32>
        %mul3A_1331 = vector.broadcast %squeeze3A_1239 : f32 to vector<16xf32>
        %mul3A_1332 = arith.mulf %mul3A_1331, %get3A_1327 : vector<16xf32>
        %add3A_1333 = arith.addf %add3A_1222, %mul3A_1332 : vector<16xf32>
        %add3A_1334 = arith.constant 8 : i32
        %add3A_1335 = arith.addi %mul3A_286, %add3A_1334 : i32
        %get3A_1336 = arith.index_cast %and3A_217 : i32 to index
        %get3A_1337 = arith.index_cast %add3A_1335 : i32 to index
        %get3A_1338 = arith.constant 112 : index
        %get3A_1339 = tpu.vector_load %arg12[%get3A_1336, %get3A_1337, %get3A_1338] {strides = array<i32>} : memref<2x320x128xf32, #tpu.memory_space<vmem>>, vector<1x1x16xf32>,
        %get3A_1340 = vector.shape_cast %get3A_1339 : vector<1x1x16xf32> to vector<16xf32>
        %mul3A_1341 = vector.broadcast %squeeze3A_1237 : f32 to vector<16xf32>
        %mul3A_1342 = arith.mulf %mul3A_1341, %get3A_1340 : vector<16xf32>
        %add3A_1343 = arith.addf %add3A_1232, %mul3A_1342 : vector<16xf32>
        %mul3A_1344 = vector.broadcast %squeeze3A_1239 : f32 to vector<16xf32>
        %mul3A_1345 = arith.mulf %mul3A_1344, %get3A_1340 : vector<16xf32>
        %add3A_1346 = arith.addf %add3A_1235, %mul3A_1345 : vector<16xf32>
        %slice3A_1347 = vector.extract_strided_slice %mul3A_313 {offsets = [9], sizes = [1], strides = [1]} : vector<16xf32> to vector<1xf32>
        %squeeze3A_1348 = vector.extract %slice3A_1347[0] : f32 from vector<1xf32>
        %slice3A_1349 = vector.extract_strided_slice %mul3A_314 {offsets = [9], sizes = [1], strides = [1]} : vector<16xf32> to vector<1xf32>
        %squeeze3A_1350 = vector.extract %slice3A_1349[0] : f32 from vector<1xf32>
        %slice3A_1351 = vector.extract_strided_slice %select_n3A_310 {offsets = [9], sizes = [1], strides = [1]} : vector<16xf32> to vector<1xf32>
        %squeeze3A_1352 = vector.extract %slice3A_1351[0] : f32 from vector<1xf32>
        %add3A_1353 = arith.addf %add3A_1242, %squeeze3A_1352 : f32
        %add3A_1354 = arith.constant 9 : i32
        %add3A_1355 = arith.addi %mul3A_286, %add3A_1354 : i32
        %get3A_1356 = arith.index_cast %and3A_217 : i32 to index
        %get3A_1357 = arith.index_cast %add3A_1355 : i32 to index
        %get3A_1358 = arith.constant 0 : index
        %get3A_1359 = tpu.vector_load %arg12[%get3A_1356, %get3A_1357, %get3A_1358] {strides = array<i32>} : memref<2x320x128xf32, #tpu.memory_space<vmem>>, vector<1x1x16xf32>,
        %get3A_1360 = vector.shape_cast %get3A_1359 : vector<1x1x16xf32> to vector<16xf32>
        %mul3A_1361 = vector.broadcast %squeeze3A_1348 : f32 to vector<16xf32>
        %mul3A_1362 = arith.mulf %mul3A_1361, %get3A_1360 : vector<16xf32>
        %add3A_1363 = arith.addf %add3A_1252, %mul3A_1362 : vector<16xf32>
        %mul3A_1364 = vector.broadcast %squeeze3A_1350 : f32 to vector<16xf32>
        %mul3A_1365 = arith.mulf %mul3A_1364, %get3A_1360 : vector<16xf32>
        %add3A_1366 = arith.addf %add3A_1255, %mul3A_1365 : vector<16xf32>
        %add3A_1367 = arith.constant 9 : i32
        %add3A_1368 = arith.addi %mul3A_286, %add3A_1367 : i32
        %get3A_1369 = arith.index_cast %and3A_217 : i32 to index
        %get3A_1370 = arith.index_cast %add3A_1368 : i32 to index
        %get3A_1371 = arith.constant 16 : index
        %get3A_1372 = tpu.vector_load %arg12[%get3A_1369, %get3A_1370, %get3A_1371] {strides = array<i32>} : memref<2x320x128xf32, #tpu.memory_space<vmem>>, vector<1x1x16xf32>,
        %get3A_1373 = vector.shape_cast %get3A_1372 : vector<1x1x16xf32> to vector<16xf32>
        %mul3A_1374 = vector.broadcast %squeeze3A_1348 : f32 to vector<16xf32>
        %mul3A_1375 = arith.mulf %mul3A_1374, %get3A_1373 : vector<16xf32>
        %add3A_1376 = arith.addf %add3A_1265, %mul3A_1375 : vector<16xf32>
        %mul3A_1377 = vector.broadcast %squeeze3A_1350 : f32 to vector<16xf32>
        %mul3A_1378 = arith.mulf %mul3A_1377, %get3A_1373 : vector<16xf32>
        %add3A_1379 = arith.addf %add3A_1268, %mul3A_1378 : vector<16xf32>
        %add3A_1380 = arith.constant 9 : i32
        %add3A_1381 = arith.addi %mul3A_286, %add3A_1380 : i32
        %get3A_1382 = arith.index_cast %and3A_217 : i32 to index
        %get3A_1383 = arith.index_cast %add3A_1381 : i32 to index
        %get3A_1384 = arith.constant 32 : index
        %get3A_1385 = tpu.vector_load %arg12[%get3A_1382, %get3A_1383, %get3A_1384] {strides = array<i32>} : memref<2x320x128xf32, #tpu.memory_space<vmem>>, vector<1x1x16xf32>,
        %get3A_1386 = vector.shape_cast %get3A_1385 : vector<1x1x16xf32> to vector<16xf32>
        %mul3A_1387 = vector.broadcast %squeeze3A_1348 : f32 to vector<16xf32>
        %mul3A_1388 = arith.mulf %mul3A_1387, %get3A_1386 : vector<16xf32>
        %add3A_1389 = arith.addf %add3A_1278, %mul3A_1388 : vector<16xf32>
        %mul3A_1390 = vector.broadcast %squeeze3A_1350 : f32 to vector<16xf32>
        %mul3A_1391 = arith.mulf %mul3A_1390, %get3A_1386 : vector<16xf32>
        %add3A_1392 = arith.addf %add3A_1281, %mul3A_1391 : vector<16xf32>
        %add3A_1393 = arith.constant 9 : i32
        %add3A_1394 = arith.addi %mul3A_286, %add3A_1393 : i32
        %get3A_1395 = arith.index_cast %and3A_217 : i32 to index
        %get3A_1396 = arith.index_cast %add3A_1394 : i32 to index
        %get3A_1397 = arith.constant 48 : index
        %get3A_1398 = tpu.vector_load %arg12[%get3A_1395, %get3A_1396, %get3A_1397] {strides = array<i32>} : memref<2x320x128xf32, #tpu.memory_space<vmem>>, vector<1x1x16xf32>,
        %get3A_1399 = vector.shape_cast %get3A_1398 : vector<1x1x16xf32> to vector<16xf32>
        %mul3A_1400 = vector.broadcast %squeeze3A_1348 : f32 to vector<16xf32>
        %mul3A_1401 = arith.mulf %mul3A_1400, %get3A_1399 : vector<16xf32>
        %add3A_1402 = arith.addf %add3A_1291, %mul3A_1401 : vector<16xf32>
        %mul3A_1403 = vector.broadcast %squeeze3A_1350 : f32 to vector<16xf32>
        %mul3A_1404 = arith.mulf %mul3A_1403, %get3A_1399 : vector<16xf32>
        %add3A_1405 = arith.addf %add3A_1294, %mul3A_1404 : vector<16xf32>
        %add3A_1406 = arith.constant 9 : i32
        %add3A_1407 = arith.addi %mul3A_286, %add3A_1406 : i32
        %get3A_1408 = arith.index_cast %and3A_217 : i32 to index
        %get3A_1409 = arith.index_cast %add3A_1407 : i32 to index
        %get3A_1410 = arith.constant 64 : index
        %get3A_1411 = tpu.vector_load %arg12[%get3A_1408, %get3A_1409, %get3A_1410] {strides = array<i32>} : memref<2x320x128xf32, #tpu.memory_space<vmem>>, vector<1x1x16xf32>,
        %get3A_1412 = vector.shape_cast %get3A_1411 : vector<1x1x16xf32> to vector<16xf32>
        %mul3A_1413 = vector.broadcast %squeeze3A_1348 : f32 to vector<16xf32>
        %mul3A_1414 = arith.mulf %mul3A_1413, %get3A_1412 : vector<16xf32>
        %add3A_1415 = arith.addf %add3A_1304, %mul3A_1414 : vector<16xf32>
        %mul3A_1416 = vector.broadcast %squeeze3A_1350 : f32 to vector<16xf32>
        %mul3A_1417 = arith.mulf %mul3A_1416, %get3A_1412 : vector<16xf32>
        %add3A_1418 = arith.addf %add3A_1307, %mul3A_1417 : vector<16xf32>
        %add3A_1419 = arith.constant 9 : i32
        %add3A_1420 = arith.addi %mul3A_286, %add3A_1419 : i32
        %get3A_1421 = arith.index_cast %and3A_217 : i32 to index
        %get3A_1422 = arith.index_cast %add3A_1420 : i32 to index
        %get3A_1423 = arith.constant 80 : index
        %get3A_1424 = tpu.vector_load %arg12[%get3A_1421, %get3A_1422, %get3A_1423] {strides = array<i32>} : memref<2x320x128xf32, #tpu.memory_space<vmem>>, vector<1x1x16xf32>,
        %get3A_1425 = vector.shape_cast %get3A_1424 : vector<1x1x16xf32> to vector<16xf32>
        %mul3A_1426 = vector.broadcast %squeeze3A_1348 : f32 to vector<16xf32>
        %mul3A_1427 = arith.mulf %mul3A_1426, %get3A_1425 : vector<16xf32>
        %add3A_1428 = arith.addf %add3A_1317, %mul3A_1427 : vector<16xf32>
        %mul3A_1429 = vector.broadcast %squeeze3A_1350 : f32 to vector<16xf32>
        %mul3A_1430 = arith.mulf %mul3A_1429, %get3A_1425 : vector<16xf32>
        %add3A_1431 = arith.addf %add3A_1320, %mul3A_1430 : vector<16xf32>
        %add3A_1432 = arith.constant 9 : i32
        %add3A_1433 = arith.addi %mul3A_286, %add3A_1432 : i32
        %get3A_1434 = arith.index_cast %and3A_217 : i32 to index
        %get3A_1435 = arith.index_cast %add3A_1433 : i32 to index
        %get3A_1436 = arith.constant 96 : index
        %get3A_1437 = tpu.vector_load %arg12[%get3A_1434, %get3A_1435, %get3A_1436] {strides = array<i32>} : memref<2x320x128xf32, #tpu.memory_space<vmem>>, vector<1x1x16xf32>,
        %get3A_1438 = vector.shape_cast %get3A_1437 : vector<1x1x16xf32> to vector<16xf32>
        %mul3A_1439 = vector.broadcast %squeeze3A_1348 : f32 to vector<16xf32>
        %mul3A_1440 = arith.mulf %mul3A_1439, %get3A_1438 : vector<16xf32>
        %add3A_1441 = arith.addf %add3A_1330, %mul3A_1440 : vector<16xf32>
        %mul3A_1442 = vector.broadcast %squeeze3A_1350 : f32 to vector<16xf32>
        %mul3A_1443 = arith.mulf %mul3A_1442, %get3A_1438 : vector<16xf32>
        %add3A_1444 = arith.addf %add3A_1333, %mul3A_1443 : vector<16xf32>
        %add3A_1445 = arith.constant 9 : i32
        %add3A_1446 = arith.addi %mul3A_286, %add3A_1445 : i32
        %get3A_1447 = arith.index_cast %and3A_217 : i32 to index
        %get3A_1448 = arith.index_cast %add3A_1446 : i32 to index
        %get3A_1449 = arith.constant 112 : index
        %get3A_1450 = tpu.vector_load %arg12[%get3A_1447, %get3A_1448, %get3A_1449] {strides = array<i32>} : memref<2x320x128xf32, #tpu.memory_space<vmem>>, vector<1x1x16xf32>,
        %get3A_1451 = vector.shape_cast %get3A_1450 : vector<1x1x16xf32> to vector<16xf32>
        %mul3A_1452 = vector.broadcast %squeeze3A_1348 : f32 to vector<16xf32>
        %mul3A_1453 = arith.mulf %mul3A_1452, %get3A_1451 : vector<16xf32>
        %add3A_1454 = arith.addf %add3A_1343, %mul3A_1453 : vector<16xf32>
        %mul3A_1455 = vector.broadcast %squeeze3A_1350 : f32 to vector<16xf32>
        %mul3A_1456 = arith.mulf %mul3A_1455, %get3A_1451 : vector<16xf32>
        %add3A_1457 = arith.addf %add3A_1346, %mul3A_1456 : vector<16xf32>
        %broadcast_in_dim3A_1458 = arith.constant 1.000000e+01 : f32
        %broadcast_in_dim3A_1459 = vector.broadcast %broadcast_in_dim3A_1458 : f32 to vector<16xf32>
        %sub3A_1460 = vector.broadcast %add3A_1353 : f32 to vector<16xf32>
        %sub3A_1461 = arith.subf %broadcast_in_dim3A_1459, %sub3A_1460 : vector<16xf32>
        %broadcast_in_dim3A_1462 = arith.constant 1.000000e+00 : f32
        %broadcast_in_dim3A_1463 = vector.broadcast %broadcast_in_dim3A_1462 : f32 to vector<16xf32>
        %div3A = arith.divf %broadcast_in_dim3A_1463, %sub3A_1461 : vector<16xf32>
        %mul3A_1464 = arith.mulf %add3A_1363, %div3A : vector<16xf32>
        %swap3A = arith.index_cast %and3A_217 : i32 to index
        %swap3A_1465 = arith.index_cast %scan3A_284 : i32 to index
        %swap3A_1466 = arith.constant 0 : index
        %swap3A_1467 = tpu.vector_load %arg13[%swap3A, %swap3A_1465, %swap3A_1466] {strides = array<i32>} : memref<2x32x256xf32, #tpu.memory_space<vmem>>, vector<1x1x16xf32>,
        %swap3A_1468 = vector.shape_cast %swap3A_1467 : vector<1x1x16xf32> to vector<16xf32>
        %swap3A_1469 = vector.shape_cast %mul3A_1464 : vector<16xf32> to vector<1x1x16xf32>
        tpu.vector_store %arg13[%swap3A, %swap3A_1465, %swap3A_1466], %swap3A_1469 {strides = array<i32>} : memref<2x32x256xf32, #tpu.memory_space<vmem>>, vector<1x1x16xf32>,
        %mul3A_1470 = arith.mulf %add3A_1366, %get3A_4 : vector<16xf32>
        %swap3A_1471 = arith.index_cast %and3A_217 : i32 to index
        %swap3A_1472 = arith.index_cast %scan3A_284 : i32 to index
        %swap3A_1473 = arith.constant 128 : index
        %swap3A_1474 = tpu.vector_load %arg13[%swap3A_1471, %swap3A_1472, %swap3A_1473] {strides = array<i32>} : memref<2x32x256xf32, #tpu.memory_space<vmem>>, vector<1x1x16xf32>,
        %swap3A_1475 = vector.shape_cast %swap3A_1474 : vector<1x1x16xf32> to vector<16xf32>
        %swap3A_1476 = vector.shape_cast %mul3A_1470 : vector<16xf32> to vector<1x1x16xf32>
        tpu.vector_store %arg13[%swap3A_1471, %swap3A_1472, %swap3A_1473], %swap3A_1476 {strides = array<i32>} : memref<2x32x256xf32, #tpu.memory_space<vmem>>, vector<1x1x16xf32>,
        %mul3A_1477 = arith.mulf %add3A_1376, %div3A : vector<16xf32>
        %swap3A_1478 = arith.index_cast %and3A_217 : i32 to index
        %swap3A_1479 = arith.index_cast %scan3A_284 : i32 to index
        %swap3A_1480 = arith.constant 16 : index
        %swap3A_1481 = tpu.vector_load %arg13[%swap3A_1478, %swap3A_1479, %swap3A_1480] {strides = array<i32>} : memref<2x32x256xf32, #tpu.memory_space<vmem>>, vector<1x1x16xf32>,
        %swap3A_1482 = vector.shape_cast %swap3A_1481 : vector<1x1x16xf32> to vector<16xf32>
        %swap3A_1483 = vector.shape_cast %mul3A_1477 : vector<16xf32> to vector<1x1x16xf32>
        tpu.vector_store %arg13[%swap3A_1478, %swap3A_1479, %swap3A_1480], %swap3A_1483 {strides = array<i32>} : memref<2x32x256xf32, #tpu.memory_space<vmem>>, vector<1x1x16xf32>,
        %mul3A_1484 = arith.mulf %add3A_1379, %get3A_4 : vector<16xf32>
        %swap3A_1485 = arith.index_cast %and3A_217 : i32 to index
        %swap3A_1486 = arith.index_cast %scan3A_284 : i32 to index
        %swap3A_1487 = arith.constant 144 : index
        %swap3A_1488 = tpu.vector_load %arg13[%swap3A_1485, %swap3A_1486, %swap3A_1487] {strides = array<i32>} : memref<2x32x256xf32, #tpu.memory_space<vmem>>, vector<1x1x16xf32>,
        %swap3A_1489 = vector.shape_cast %swap3A_1488 : vector<1x1x16xf32> to vector<16xf32>
        %swap3A_1490 = vector.shape_cast %mul3A_1484 : vector<16xf32> to vector<1x1x16xf32>
        tpu.vector_store %arg13[%swap3A_1485, %swap3A_1486, %swap3A_1487], %swap3A_1490 {strides = array<i32>} : memref<2x32x256xf32, #tpu.memory_space<vmem>>, vector<1x1x16xf32>,
        %mul3A_1491 = arith.mulf %add3A_1389, %div3A : vector<16xf32>
        %swap3A_1492 = arith.index_cast %and3A_217 : i32 to index
        %swap3A_1493 = arith.index_cast %scan3A_284 : i32 to index
        %swap3A_1494 = arith.constant 32 : index
        %swap3A_1495 = tpu.vector_load %arg13[%swap3A_1492, %swap3A_1493, %swap3A_1494] {strides = array<i32>} : memref<2x32x256xf32, #tpu.memory_space<vmem>>, vector<1x1x16xf32>,
        %swap3A_1496 = vector.shape_cast %swap3A_1495 : vector<1x1x16xf32> to vector<16xf32>
        %swap3A_1497 = vector.shape_cast %mul3A_1491 : vector<16xf32> to vector<1x1x16xf32>
        tpu.vector_store %arg13[%swap3A_1492, %swap3A_1493, %swap3A_1494], %swap3A_1497 {strides = array<i32>} : memref<2x32x256xf32, #tpu.memory_space<vmem>>, vector<1x1x16xf32>,
        %mul3A_1498 = arith.mulf %add3A_1392, %get3A_4 : vector<16xf32>
        %swap3A_1499 = arith.index_cast %and3A_217 : i32 to index
        %swap3A_1500 = arith.index_cast %scan3A_284 : i32 to index
        %swap3A_1501 = arith.constant 160 : index
        %swap3A_1502 = tpu.vector_load %arg13[%swap3A_1499, %swap3A_1500, %swap3A_1501] {strides = array<i32>} : memref<2x32x256xf32, #tpu.memory_space<vmem>>, vector<1x1x16xf32>,
        %swap3A_1503 = vector.shape_cast %swap3A_1502 : vector<1x1x16xf32> to vector<16xf32>
        %swap3A_1504 = vector.shape_cast %mul3A_1498 : vector<16xf32> to vector<1x1x16xf32>
        tpu.vector_store %arg13[%swap3A_1499, %swap3A_1500, %swap3A_1501], %swap3A_1504 {strides = array<i32>} : memref<2x32x256xf32, #tpu.memory_space<vmem>>, vector<1x1x16xf32>,
        %mul3A_1505 = arith.mulf %add3A_1402, %div3A : vector<16xf32>
        %swap3A_1506 = arith.index_cast %and3A_217 : i32 to index
        %swap3A_1507 = arith.index_cast %scan3A_284 : i32 to index
        %swap3A_1508 = arith.constant 48 : index
        %swap3A_1509 = tpu.vector_load %arg13[%swap3A_1506, %swap3A_1507, %swap3A_1508] {strides = array<i32>} : memref<2x32x256xf32, #tpu.memory_space<vmem>>, vector<1x1x16xf32>,
        %swap3A_1510 = vector.shape_cast %swap3A_1509 : vector<1x1x16xf32> to vector<16xf32>
        %swap3A_1511 = vector.shape_cast %mul3A_1505 : vector<16xf32> to vector<1x1x16xf32>
        tpu.vector_store %arg13[%swap3A_1506, %swap3A_1507, %swap3A_1508], %swap3A_1511 {strides = array<i32>} : memref<2x32x256xf32, #tpu.memory_space<vmem>>, vector<1x1x16xf32>,
        %mul3A_1512 = arith.mulf %add3A_1405, %get3A_4 : vector<16xf32>
        %swap3A_1513 = arith.index_cast %and3A_217 : i32 to index
        %swap3A_1514 = arith.index_cast %scan3A_284 : i32 to index
        %swap3A_1515 = arith.constant 176 : index
        %swap3A_1516 = tpu.vector_load %arg13[%swap3A_1513, %swap3A_1514, %swap3A_1515] {strides = array<i32>} : memref<2x32x256xf32, #tpu.memory_space<vmem>>, vector<1x1x16xf32>,
        %swap3A_1517 = vector.shape_cast %swap3A_1516 : vector<1x1x16xf32> to vector<16xf32>
        %swap3A_1518 = vector.shape_cast %mul3A_1512 : vector<16xf32> to vector<1x1x16xf32>
        tpu.vector_store %arg13[%swap3A_1513, %swap3A_1514, %swap3A_1515], %swap3A_1518 {strides = array<i32>} : memref<2x32x256xf32, #tpu.memory_space<vmem>>, vector<1x1x16xf32>,
        %mul3A_1519 = arith.mulf %add3A_1415, %div3A : vector<16xf32>
        %swap3A_1520 = arith.index_cast %and3A_217 : i32 to index
        %swap3A_1521 = arith.index_cast %scan3A_284 : i32 to index
        %swap3A_1522 = arith.constant 64 : index
        %swap3A_1523 = tpu.vector_load %arg13[%swap3A_1520, %swap3A_1521, %swap3A_1522] {strides = array<i32>} : memref<2x32x256xf32, #tpu.memory_space<vmem>>, vector<1x1x16xf32>,
        %swap3A_1524 = vector.shape_cast %swap3A_1523 : vector<1x1x16xf32> to vector<16xf32>
        %swap3A_1525 = vector.shape_cast %mul3A_1519 : vector<16xf32> to vector<1x1x16xf32>
        tpu.vector_store %arg13[%swap3A_1520, %swap3A_1521, %swap3A_1522], %swap3A_1525 {strides = array<i32>} : memref<2x32x256xf32, #tpu.memory_space<vmem>>, vector<1x1x16xf32>,
        %mul3A_1526 = arith.mulf %add3A_1418, %get3A_4 : vector<16xf32>
        %swap3A_1527 = arith.index_cast %and3A_217 : i32 to index
        %swap3A_1528 = arith.index_cast %scan3A_284 : i32 to index
        %swap3A_1529 = arith.constant 192 : index
        %swap3A_1530 = tpu.vector_load %arg13[%swap3A_1527, %swap3A_1528, %swap3A_1529] {strides = array<i32>} : memref<2x32x256xf32, #tpu.memory_space<vmem>>, vector<1x1x16xf32>,
        %swap3A_1531 = vector.shape_cast %swap3A_1530 : vector<1x1x16xf32> to vector<16xf32>
        %swap3A_1532 = vector.shape_cast %mul3A_1526 : vector<16xf32> to vector<1x1x16xf32>
        tpu.vector_store %arg13[%swap3A_1527, %swap3A_1528, %swap3A_1529], %swap3A_1532 {strides = array<i32>} : memref<2x32x256xf32, #tpu.memory_space<vmem>>, vector<1x1x16xf32>,
        %mul3A_1533 = arith.mulf %add3A_1428, %div3A : vector<16xf32>
        %swap3A_1534 = arith.index_cast %and3A_217 : i32 to index
        %swap3A_1535 = arith.index_cast %scan3A_284 : i32 to index
        %swap3A_1536 = arith.constant 80 : index
        %swap3A_1537 = tpu.vector_load %arg13[%swap3A_1534, %swap3A_1535, %swap3A_1536] {strides = array<i32>} : memref<2x32x256xf32, #tpu.memory_space<vmem>>, vector<1x1x16xf32>,
        %swap3A_1538 = vector.shape_cast %swap3A_1537 : vector<1x1x16xf32> to vector<16xf32>
        %swap3A_1539 = vector.shape_cast %mul3A_1533 : vector<16xf32> to vector<1x1x16xf32>
        tpu.vector_store %arg13[%swap3A_1534, %swap3A_1535, %swap3A_1536], %swap3A_1539 {strides = array<i32>} : memref<2x32x256xf32, #tpu.memory_space<vmem>>, vector<1x1x16xf32>,
        %mul3A_1540 = arith.mulf %add3A_1431, %get3A_4 : vector<16xf32>
        %swap3A_1541 = arith.index_cast %and3A_217 : i32 to index
        %swap3A_1542 = arith.index_cast %scan3A_284 : i32 to index
        %swap3A_1543 = arith.constant 208 : index
        %swap3A_1544 = tpu.vector_load %arg13[%swap3A_1541, %swap3A_1542, %swap3A_1543] {strides = array<i32>} : memref<2x32x256xf32, #tpu.memory_space<vmem>>, vector<1x1x16xf32>,
        %swap3A_1545 = vector.shape_cast %swap3A_1544 : vector<1x1x16xf32> to vector<16xf32>
        %swap3A_1546 = vector.shape_cast %mul3A_1540 : vector<16xf32> to vector<1x1x16xf32>
        tpu.vector_store %arg13[%swap3A_1541, %swap3A_1542, %swap3A_1543], %swap3A_1546 {strides = array<i32>} : memref<2x32x256xf32, #tpu.memory_space<vmem>>, vector<1x1x16xf32>,
        %mul3A_1547 = arith.mulf %add3A_1441, %div3A : vector<16xf32>
        %swap3A_1548 = arith.index_cast %and3A_217 : i32 to index
        %swap3A_1549 = arith.index_cast %scan3A_284 : i32 to index
        %swap3A_1550 = arith.constant 96 : index
        %swap3A_1551 = tpu.vector_load %arg13[%swap3A_1548, %swap3A_1549, %swap3A_1550] {strides = array<i32>} : memref<2x32x256xf32, #tpu.memory_space<vmem>>, vector<1x1x16xf32>,
        %swap3A_1552 = vector.shape_cast %swap3A_1551 : vector<1x1x16xf32> to vector<16xf32>
        %swap3A_1553 = vector.shape_cast %mul3A_1547 : vector<16xf32> to vector<1x1x16xf32>
        tpu.vector_store %arg13[%swap3A_1548, %swap3A_1549, %swap3A_1550], %swap3A_1553 {strides = array<i32>} : memref<2x32x256xf32, #tpu.memory_space<vmem>>, vector<1x1x16xf32>,
        %mul3A_1554 = arith.mulf %add3A_1444, %get3A_4 : vector<16xf32>
        %swap3A_1555 = arith.index_cast %and3A_217 : i32 to index
        %swap3A_1556 = arith.index_cast %scan3A_284 : i32 to index
        %swap3A_1557 = arith.constant 224 : index
        %swap3A_1558 = tpu.vector_load %arg13[%swap3A_1555, %swap3A_1556, %swap3A_1557] {strides = array<i32>} : memref<2x32x256xf32, #tpu.memory_space<vmem>>, vector<1x1x16xf32>,
        %swap3A_1559 = vector.shape_cast %swap3A_1558 : vector<1x1x16xf32> to vector<16xf32>
        %swap3A_1560 = vector.shape_cast %mul3A_1554 : vector<16xf32> to vector<1x1x16xf32>
        tpu.vector_store %arg13[%swap3A_1555, %swap3A_1556, %swap3A_1557], %swap3A_1560 {strides = array<i32>} : memref<2x32x256xf32, #tpu.memory_space<vmem>>, vector<1x1x16xf32>,
        %mul3A_1561 = arith.mulf %add3A_1454, %div3A : vector<16xf32>
        %swap3A_1562 = arith.index_cast %and3A_217 : i32 to index
        %swap3A_1563 = arith.index_cast %scan3A_284 : i32 to index
        %swap3A_1564 = arith.constant 112 : index
        %swap3A_1565 = tpu.vector_load %arg13[%swap3A_1562, %swap3A_1563, %swap3A_1564] {strides = array<i32>} : memref<2x32x256xf32, #tpu.memory_space<vmem>>, vector<1x1x16xf32>,
        %swap3A_1566 = vector.shape_cast %swap3A_1565 : vector<1x1x16xf32> to vector<16xf32>
        %swap3A_1567 = vector.shape_cast %mul3A_1561 : vector<16xf32> to vector<1x1x16xf32>
        tpu.vector_store %arg13[%swap3A_1562, %swap3A_1563, %swap3A_1564], %swap3A_1567 {strides = array<i32>} : memref<2x32x256xf32, #tpu.memory_space<vmem>>, vector<1x1x16xf32>,
        %mul3A_1568 = arith.mulf %add3A_1457, %get3A_4 : vector<16xf32>
        %swap3A_1569 = arith.index_cast %and3A_217 : i32 to index
        %swap3A_1570 = arith.index_cast %scan3A_284 : i32 to index
        %swap3A_1571 = arith.constant 240 : index
        %swap3A_1572 = tpu.vector_load %arg13[%swap3A_1569, %swap3A_1570, %swap3A_1571] {strides = array<i32>} : memref<2x32x256xf32, #tpu.memory_space<vmem>>, vector<1x1x16xf32>,
        %swap3A_1573 = vector.shape_cast %swap3A_1572 : vector<1x1x16xf32> to vector<16xf32>
        %swap3A_1574 = vector.shape_cast %mul3A_1568 : vector<16xf32> to vector<1x1x16xf32>
        tpu.vector_store %arg13[%swap3A_1569, %swap3A_1570, %swap3A_1571], %swap3A_1574 {strides = array<i32>} : memref<2x32x256xf32, #tpu.memory_space<vmem>>, vector<1x1x16xf32>,
      }
      %scan3A_266 = arith.constant 32 : i32
      %mul3A_267 = arith.constant 32 : i32
      %mul3A_268 = arith.muli %scan3A_216, %mul3A_267 : i32
      %add3A_269 = arith.addi %mul3A_2, %mul3A_268 : i32
      %dma_start3A_270 = arith.constant 0 : i32
      %dma_start3A_271 = arith.constant 0 : i32
      %dma_start3A_272 = tpu.memref_slice %arg13[%and3A_217, %dma_start3A_270, %dma_start3A_271] : memref<2x32x256xf32, #tpu.memory_space<vmem>> -> memref<1x32x256xf32, #tpu.memory_space<vmem>>
      %dma_start3A_273 = tpu.memref_squeeze %dma_start3A_272 : memref<1x32x256xf32, #tpu.memory_space<vmem>> -> memref<32x256xf32, #tpu.memory_space<vmem>>
      %dma_start3A_274 = arith.constant 0 : i32
      %dma_start3A_275 = tpu.memref_slice %arg7[%add3A_269, %dma_start3A_274] : memref<16384x256xf32, #tpu.memory_space<hbm>> -> memref<32x256xf32, #tpu.memory_space<hbm>>
      %dma_start3A_276 = tpu.memref_slice %arg16[%and3A_217] : memref<2x!tpu.dma_semaphore, #tpu.memory_space<semaphore_mem>> -> memref<1x!tpu.dma_semaphore, #tpu.memory_space<semaphore_mem>>
      %dma_start3A_277 = tpu.memref_squeeze %dma_start3A_276 : memref<1x!tpu.dma_semaphore, #tpu.memory_space<semaphore_mem>> -> memref<!tpu.dma_semaphore, #tpu.memory_space<semaphore_mem>>
      %dma_start3A_278 = arith.constant 0 : i32
      %dma_start3A_279 = tpu.memref_slice %arg7[%add3A_269, %dma_start3A_278] : memref<16384x256xf32, #tpu.memory_space<hbm>> -> memref<32x256xf32, #tpu.memory_space<hbm>>
      %dma_start3A_280 = arith.constant 0 : i32
      %dma_start3A_281 = arith.constant 0 : i32
      %dma_start3A_282 = tpu.memref_slice %arg13[%and3A_217, %dma_start3A_280, %dma_start3A_281] : memref<2x32x256xf32, #tpu.memory_space<vmem>> -> memref<1x32x256xf32, #tpu.memory_space<vmem>>
      %dma_start3A_283 = tpu.memref_squeeze %dma_start3A_282 : memref<1x32x256xf32, #tpu.memory_space<vmem>> -> memref<32x256xf32, #tpu.memory_space<vmem>>
      tpu.enqueue_dma source(%dma_start3A_283 : memref<32x256xf32, #tpu.memory_space<vmem>>) target(%dma_start3A_279 : memref<32x256xf32, #tpu.memory_space<hbm>>) target_semaphore(%dma_start3A_277 : memref<!tpu.dma_semaphore, #tpu.memory_space<semaphore_mem>>)
    }
    %scan3A_179 = arith.constant 16 : i32
    %dma_wait3A_180 = arith.constant 0 : i32
    %dma_wait3A_181 = arith.constant 0 : i32
    %dma_wait3A_182 = arith.constant 0 : i32
    %dma_wait3A_183 = arith.constant 0 : i32
    %dma_wait3A_184 = tpu.memref_slice %arg13[%dma_wait3A_180, %dma_wait3A_182, %dma_wait3A_183] : memref<2x32x256xf32, #tpu.memory_space<vmem>> -> memref<1x32x256xf32, #tpu.memory_space<vmem>>
    %dma_wait3A_185 = tpu.memref_squeeze %dma_wait3A_184 : memref<1x32x256xf32, #tpu.memory_space<vmem>> -> memref<32x256xf32, #tpu.memory_space<vmem>>
    %dma_wait3A_186 = arith.constant 0 : i32
    %dma_wait3A_187 = arith.constant 0 : i32
    %dma_wait3A_188 = tpu.memref_slice %arg7[%dma_wait3A_186, %dma_wait3A_187] : memref<16384x256xf32, #tpu.memory_space<hbm>> -> memref<32x256xf32, #tpu.memory_space<hbm>>
    %dma_wait3A_189 = tpu.memref_slice %arg16[%dma_wait3A_181] : memref<2x!tpu.dma_semaphore, #tpu.memory_space<semaphore_mem>> -> memref<1x!tpu.dma_semaphore, #tpu.memory_space<semaphore_mem>>
    %dma_wait3A_190 = tpu.memref_squeeze %dma_wait3A_189 : memref<1x!tpu.dma_semaphore, #tpu.memory_space<semaphore_mem>> -> memref<!tpu.dma_semaphore, #tpu.memory_space<semaphore_mem>>
    %dma_wait3A_191 = arith.constant 0 : i32
    %dma_wait3A_192 = arith.constant 0 : i32
    %dma_wait3A_193 = tpu.memref_slice %arg7[%dma_wait3A_191, %dma_wait3A_192] : memref<16384x256xf32, #tpu.memory_space<hbm>> -> memref<32x256xf32, #tpu.memory_space<hbm>>
    %dma_wait3A_194 = arith.constant 0 : i32
    %dma_wait3A_195 = arith.constant 0 : i32
    %dma_wait3A_196 = tpu.memref_slice %arg13[%dma_wait3A_180, %dma_wait3A_194, %dma_wait3A_195] : memref<2x32x256xf32, #tpu.memory_space<vmem>> -> memref<1x32x256xf32, #tpu.memory_space<vmem>>
    %dma_wait3A_197 = tpu.memref_squeeze %dma_wait3A_196 : memref<1x32x256xf32, #tpu.memory_space<vmem>> -> memref<32x256xf32, #tpu.memory_space<vmem>>
    tpu.wait_dma2 semaphore(%dma_wait3A_190 : memref<!tpu.dma_semaphore, #tpu.memory_space<semaphore_mem>>) src(%dma_wait3A_197 : memref<32x256xf32, #tpu.memory_space<vmem>>) dst(%dma_wait3A_193 : memref<32x256xf32, #tpu.memory_space<hbm>>)
    %dma_wait3A_198 = arith.constant 1 : i32
    %dma_wait3A_199 = arith.constant 1 : i32
    %dma_wait3A_200 = arith.constant 0 : i32
    %dma_wait3A_201 = arith.constant 0 : i32
    %dma_wait3A_202 = tpu.memref_slice %arg13[%dma_wait3A_198, %dma_wait3A_200, %dma_wait3A_201] : memref<2x32x256xf32, #tpu.memory_space<vmem>> -> memref<1x32x256xf32, #tpu.memory_space<vmem>>
    %dma_wait3A_203 = tpu.memref_squeeze %dma_wait3A_202 : memref<1x32x256xf32, #tpu.memory_space<vmem>> -> memref<32x256xf32, #tpu.memory_space<vmem>>
    %dma_wait3A_204 = arith.constant 0 : i32
    %dma_wait3A_205 = arith.constant 0 : i32
    %dma_wait3A_206 = tpu.memref_slice %arg7[%dma_wait3A_204, %dma_wait3A_205] : memref<16384x256xf32, #tpu.memory_space<hbm>> -> memref<32x256xf32, #tpu.memory_space<hbm>>
    %dma_wait3A_207 = tpu.memref_slice %arg16[%dma_wait3A_199] : memref<2x!tpu.dma_semaphore, #tpu.memory_space<semaphore_mem>> -> memref<1x!tpu.dma_semaphore, #tpu.memory_space<semaphore_mem>>
    %dma_wait3A_208 = tpu.memref_squeeze %dma_wait3A_207 : memref<1x!tpu.dma_semaphore, #tpu.memory_space<semaphore_mem>> -> memref<!tpu.dma_semaphore, #tpu.memory_space<semaphore_mem>>
    %dma_wait3A_209 = arith.constant 0 : i32
    %dma_wait3A_210 = arith.constant 0 : i32
    %dma_wait3A_211 = tpu.memref_slice %arg7[%dma_wait3A_209, %dma_wait3A_210] : memref<16384x256xf32, #tpu.memory_space<hbm>> -> memref<32x256xf32, #tpu.memory_space<hbm>>
    %dma_wait3A_212 = arith.constant 0 : i32
    %dma_wait3A_213 = arith.constant 0 : i32
    %dma_wait3A_214 = tpu.memref_slice %arg13[%dma_wait3A_198, %dma_wait3A_212, %dma_wait3A_213] : memref<2x32x256xf32, #tpu.memory_space<vmem>> -> memref<1x32x256xf32, #tpu.memory_space<vmem>>
    %dma_wait3A_215 = tpu.memref_squeeze %dma_wait3A_214 : memref<1x32x256xf32, #tpu.memory_space<vmem>> -> memref<32x256xf32, #tpu.memory_space<vmem>>
    tpu.wait_dma2 semaphore(%dma_wait3A_208 : memref<!tpu.dma_semaphore, #tpu.memory_space<semaphore_mem>>) src(%dma_wait3A_215 : memref<32x256xf32, #tpu.memory_space<vmem>>) dst(%dma_wait3A_211 : memref<32x256xf32, #tpu.memory_space<hbm>>)
    return
  }
}

</mosaic_0001>

<sc_bundles>
// kernel: kernel.3.cloned.1.call-start
scs
__scs_entry_jumppad:
0x0: {  	(pc) =	sbr.rel $0x88, $3  }
0x1: {  	(tag) =	ssettag $0x0;
	lr =	simm.s32 $0x1  }
0x2: {  	[smem:$0x3F9C] =	sst lr;
	_ =	strace $0xD0000000  }
0x3: {  	_ = 	snop  }
0x4: {  	_ = 	snop  }
0x5: {  	_ = 	snop  }
0x6: {  	_ = 	snop  }
0x7: {  	_ = 	snop  }
__scs_overlays_trampoline_lowered:
0x8: {  	[smem:$0x3FAB] =	sst s0  }
0x9: {  	[smem:$0x3FAC] =	sst s1  }
0xa: {  	[smem:$0x3FAD] =	sst s2  }
0xb: {  	[smem:$0x3FAE] =	sst s3  }
0xc: {  	[smem:$0x3FAF] =	sst s4  }
0xd: {  	[smem:$0x3FB0] =	sst s5  }
0xe: {  	[smem:$0x3FB1] =	sst s6  }
0xf: {  	[smem:$0x3FB2] =	sst s7  }
0x10: {  	[smem:$0x3FB3] =	sst s8  }
0x11: {  	[smem:$0x3FB4] =	sst s9;
	s0 =	simm.s32 @!p0 $0x0  }
0x12: {  	s1 =	sld [smem:$0x3F9A];
	s0 =	simm.s32 @p0 $0x1  }
0x13: {  	[smem:$0x3FB5] =	sst s0;
	s0 =	simm.s32 @!p1 $0x0  }
0x14: {  	s2 =	sld [smem:$0x3F99];
	s0 =	simm.s32 @p1 $0x1  }
0x15: {  	[smem:$0x3FB6] =	sst s0;
	s0 =	simm.s32 @!p2 $0x0  }
0x16: {  	s3 =	sld [smem:$0x3FDB];
	s0 =	simm.s32 @p2 $0x1  }
0x17: {  	s4 =	simm.s32 $0x1BF5;
	[smem:$0x3FB8] =	sst s0  }
0x18: {  	s0 =	sld [smem:$0x3F9B];
	_ =	swait.ge [sflag:s4], $0x0  }
0x19: {  	s7 =	sld [smem:$0x3F9C]  }
0x1a: {  	s8 =	sadd.s32 $0xFFFFE003, lr  }
0x1b: {  	s9 =	sadd.s32 $0xFFFFFEF7, lr;
	s5 =	simm.s32 $0xFFFFFFFF;
	p2 =	slt.u32 s8, $0xFFFFF086  }
0x1c: {  	p1 =	slt.u32 s9, $0xF7A;
	s5 =	simm.s32 @!p2 $0x0  }
0x1d: {  	s5 =	simm.s32 @p1 $0x1;
	p0 =	seq.s32 s7, s2  }
0x1e: {  	s7 =	smul.u32 @!p0 $0xF7A, s2;
	p2 =	seq.s32 @!p0 s5, $0x0  }
0x1f: {  	s9 =	smul.u32 $0xF7A, s1;
	s8 =	simm.s32 @!p0 $0x1BF5;
	p2 =	por !p2, p0  }
0x20: {  	[sflag:s8] =	ssyncset.s32 @!p0 $0xFFFFF086;
	s6 =	sadd.s32 @!p0 s3, s7;
	s7 =	simm.s32 @!p0 $0x108  }
0x21: {  	s3 =	sadd.s32 s3, s9;
	s6 =	sadd.s32 @!p0 $0x88, s6;
	s7 =	simm.s32 @p2 $0x1082  }
0x22: {  	[simem:s7], [sflag:s8] =	dma.local @!p0 [hbm:s6], $0xF7A  }
0x23: {  	s9 =	sor.u32 $0xD0000000, s2;
	s6 =	simm.s32 $0x108;
	_ =	swait.ge @!p0 [sflag:s8], $0x0  }
0x24: {  	s3 =	sadd.s32 $0x88, s3;
	s6 =	simm.s32 @!p1 $0x1082;
	[sflag:s4] =	ssyncset.s32 $0xFFFFF086  }
0x25: {  	[simem:s6], [sflag:s4] =	dma.local [hbm:s3], $0xF7A  }
0x26: {  	[smem:$0x3F9C] =	sst s1;
	(tag) =	ssettag s2;
	_ =	strace s9  }
0x27: {  	s1 =	sld [smem:$0x3FAC]  }
0x28: {  	s2 =	sld [smem:$0x3FAD]  }
0x29: {  	s4 =	sld [smem:$0x3FAF]  }
0x2a: {  	p0 =	seq.s32 s5, $0x0;
	s5 =	sld [smem:$0x3FB0]  }
0x2b: {  	s6 =	sld [smem:$0x3FB1]  }
0x2c: {  	s7 =	sld [smem:$0x3FB2]  }
0x2d: {  	s3 =	simm.s32 $0x108;
	s8 =	sld [smem:$0x3FB3]  }
0x2e: {  	s3 =	simm.s32 @!p0 $0x1082;
	s9 =	sld [smem:$0x3FB4]  }
0x2f: {  	lr =	sadd.s32 s0, s3;
	s0 =	sld [smem:$0x3FAB]  }
0x30: {  	s3 =	sld [smem:$0x3FAE]  }
0x31: {  	[smem:$0x3FB7] =	sst s10  }
0x32: {  	s10 =	sld [smem:$0x3FB5];
	_ =	sdelay $0x3  }
0x33: {  	p0 =	seq.s32 s10, $0x1;
	s10 =	sld [smem:$0x3FB7];
	_ =	sdelay $0x3  }
0x34: {  	[smem:$0x3FB7] =	sst s10  }
0x35: {  	s10 =	sld [smem:$0x3FB6];
	_ =	sdelay $0x3  }
0x36: {  	p1 =	seq.s32 s10, $0x1;
	s10 =	sld [smem:$0x3FB7];
	_ =	sdelay $0x3  }
0x37: {  	[smem:$0x3FB7] =	sst s10  }
0x38: {  	s10 =	sld [smem:$0x3FB8]  }
0x39: {  	_ = 	snop;
	(pc) =	sbr.ind lr, $3  }
0x3a: {  	_ = 	snop  }
0x3b: {  	_ = 	snop  }
0x3c: {  	p2 =	seq.s32 s10, $0x1;
	s10 =	sld [smem:$0x3FB7]  }
0x3d: {  	_ =	shalt  }
0x3e: {  	_ =	shalt  }
0x3f: {  	_ =	shalt  }
0x40: {  	_ =	shalt  }
0x41: {  	_ =	shalt  }
0x42: {  	_ =	shalt  }
0x43: {  	_ =	shalt  }
0x44: {  	_ =	shalt  }
0x45: {  	_ =	shalt  }
0x46: {  	_ =	shalt  }
0x47: {  	_ =	shalt  }
0x48: {  	_ =	shalt  }
0x49: {  	_ =	shalt  }
0x4a: {  	_ =	shalt  }
0x4b: {  	_ =	shalt  }
0x4c: {  	_ =	shalt  }
0x4d: {  	_ =	shalt  }
0x4e: {  	_ =	shalt  }
0x4f: {  	_ =	shalt  }
0x50: {  	_ =	shalt  }
0x51: {  	_ =	shalt  }
0x52: {  	_ =	shalt  }
0x53: {  	_ =	shalt  }
0x54: {  	_ =	shalt  }
0x55: {  	_ =	shalt  }
0x56: {  	_ =	shalt  }
0x57: {  	_ =	shalt  }
0x58: {  	_ =	shalt  }
0x59: {  	_ =	shalt  }
0x5a: {  	_ =	shalt  }
0x5b: {  	_ =	shalt  }
0x5c: {  	_ =	shalt  }
0x5d: {  	_ =	shalt  }
0x5e: {  	_ =	shalt  }
0x5f: {  	_ =	shalt  }
0x60: {  	_ =	shalt  }
0x61: {  	_ =	shalt  }
0x62: {  	_ =	shalt  }
0x63: {  	_ =	shalt  }
0x64: {  	_ =	shalt  }
0x65: {  	_ =	shalt  }
0x66: {  	_ =	shalt  }
0x67: {  	_ =	shalt  }
0x68: {  	_ =	shalt  }
0x69: {  	_ =	shalt  }
0x6a: {  	_ =	shalt  }
0x6b: {  	_ =	shalt  }
0x6c: {  	_ =	shalt  }
0x6d: {  	_ =	shalt  }
0x6e: {  	_ =	shalt  }
0x6f: {  	_ =	shalt  }
0x70: {  	_ =	shalt  }
0x71: {  	_ =	shalt  }
0x72: {  	_ =	shalt  }
0x73: {  	_ =	shalt  }
0x74: {  	_ =	shalt  }
0x75: {  	_ =	shalt  }
0x76: {  	_ =	shalt  }
0x77: {  	_ =	shalt  }
0x78: {  	_ =	shalt  }
0x79: {  	_ =	shalt  }
0x7a: {  	_ =	shalt  }
0x7b: {  	_ =	shalt  }
0x7c: {  	_ =	shalt  }
0x7d: {  	_ =	shalt  }
0x7e: {  	_ =	shalt  }
0x7f: {  	_ =	shalt  }
0x80: {  	_ =	shalt  }
0x81: {  	_ =	shalt  }
0x82: {  	_ =	shalt  }
0x83: {  	_ =	shalt  }
0x84: {  	_ =	shalt  }
0x85: {  	_ =	shalt  }
0x86: {  	_ =	shalt  }
0x87: {  	_ =	shalt  }
.Lfunc_end0:
.L_simem_size_0:
called_computation_lowered:
.L_overlay_start_0:
0x88: {  	s2 =	sld [smem:$0x3FD9]  }
0x89: {  	s3 =	sld [smem:$0x3FFE];
	_ =	sdelay $0x1  }
0x8a: {  	s1 =	srdreg.scid  }
0x8b: {  	s0 =	sand.u32 $0x1, s1  }
0x8c: {  	s17 =	sshll.u32 s0, $0xA;
	s2 =	sadd.s32 s3, s2  }
0x8d: {  	s2 =	sadd.s32 s2, s17  }
0x8e: {  	[smem:$0x3FC3] =	sst s2  }
0x8f: {  	_ = 	snop  }
0x90: {  	s2 =	sld [smem:$0x3FC9]  }
0x91: {  	s18 =	sld [smem:$0x3FC6]  }
0x92: {  	s4 =	sld [smem:$0x3FD0];
	(tm) =	ssettm $0x1  }
0x93: {  	s5 =	sld [smem:$0x3FFB];
	_ =	sdelay $0x3  }
0x94: {  	_ =	strace s5  }
0x95: {  	s5 =	sld [smem:$0x3FFC];
	_ =	sdelay $0x3  }
0x96: {  	_ =	strace s5  }
0x97: {  	s5 =	sld [smem:$0x3FFD];
	_ =	sdelay $0x3  }
0x98: {  	_ =	strace s5  }
0x99: {  	_ =	strace $0x8FFFFFFF  }
0x9a: {  	s19 =	sld [smem:$0x3FDB];
	_ =	sdelay $0x1  }
0x9b: {  	s6 =	simm.s32 $_scs_section_size  }
0x9c: {  	s7 =	simm.s32 $_size__tile_overlayer_lowered;
	s8 =	simm.s32 $_tile_overlayer_lowered  }
0x9d: {  	s22 =	simm.s32 $0x1BFF;
	s21 =	sshll.u32 s8, $0x1;
	s5 =	sadd.s32 s6, s19  }
0x9e: {  	s9 =	simm.s32 $0x0;
	s20 =	sshll.u32 s7, $0x1;
	s7 =	sadd.s32 s21, s5  }
0x9f: {  	[timem:s9], [sflag:s22] =	dma.local [hbm:s7], s20  }
0xa0: {  	_ =	swait.ge [sflag:s22], s20  }
0xa1: {  	s6 =	ssub.s32 $0x0, s20;
	[sflag:s22] =	ssyncset.done $0x0  }
0xa2: {  	[sflag:s22] =	ssyncadd.s32 s6;
	_ =	sdelay $0x1  }
0xa3: {  	s23 =	simm.s32 $0x1B8B  }
0xa4: {  	_ =	swait.ge [sflag:s23], $0x1  }
0xa5: {  	[sflag:s23] =	ssyncset.done $0x0  }
0xa6: {  	s25 =	simm.s32 $0x1B8E;
	s24 =	sld [smem:$0x3FFE];
	[sflag:s23] =	ssyncadd.s32 $0xFFFFFFFF  }
0xa7: {  	s26 =	simm.s32 $execute0_lowered;
	[smem:$0x3FD2] =	sst s25  }
0xa8: {  	s7 =	sshll.u32 s26, $0x1;
	_ =	strace $0x80000046;
	[dreg:$0x1] =	wrdreg $0xFFFFFFFF  }
0xa9: {  	s28 =	simm.s32 $_size_execute0_lowered;
	s5 =	sadd.s32 s5, s7;
	[dreg:$0x0] =	wrdreg $0x0  }
0xaa: {  	s7 =	sshll.u32 s28, $0x1;
	[dreg:$0x2] =	wrdreg s5  }
0xab: {  	[dreg:$0x3] =	wrdreg s7  }
0xac: {  	[dreg:$0x4] =	wrdreg $0xC0  }
0xad: {  	_ =	task [dreg:s9], $0x5FFFF  }
0xae: {  	[dreg:$0x1] =	wrdreg $0xFFFFFFFF  }
0xaf: {  	[dreg:$0x0] =	wrdreg $0x60  }
0xb0: {  	[dreg:$0x2] =	wrdreg s2  }
0xb1: {  	[dreg:$0x3] =	wrdreg s24  }
0xb2: {  	[dreg:$0x4] =	wrdreg s18  }
0xb3: {  	[dreg:$0x5] =	wrdreg s4  }
0xb4: {  	[dreg:$0x6] =	wrdreg $0x9  }
0xb5: {  	_ =	task.clear_ibuf [dreg:s9], $0x7FFFF;
	_ =	strace $0x90000046  }
0xb6: {  	s29 =	simm.s32 $0x9;
	_ =	strace $0x80000048  }
0xb7: {  	_ =	swait.ge [sflag:s29], $0x1  }
0xb8: {  	[sflag:s29] =	ssyncadd.s32 $0xFFFFFFFF  }
0xb9: {  	_ =	strace $0x90000048  }
0xba: {  	_ =	sfence  }
0xbb: {  	s30 =	sld [smem:$0x0];
	_ =	sdelay $0x2  }
0xbc: {  	s31 =	sshll.u32 s1, $0xD;
	s1 =	sshrl.u32 s1, $0x2  }
0xbd: {  	s3 =	sand.u32 $0x4000, s31;
	s1 =	sadd.s32 s1, s30  }
0xbe: {  	s0 =	sor.u32 s3, s0;
	s1 =	sshll.u32 s1, $0x11  }
0xbf: {  	s0 =	sor.u32 s1, s0  }
0xc0: {  	s0 =	sadd.s32 $0x8F2B, s0  }
0xc1: {  	[sflag:s0] =	ssyncadd.remote.s32 $0x1  }
0xc2: {  	_ =	sfence.sel $0xFFFF  }
0xc3: {  	[dreg:$0x0] =	wrdreg $0xFFFFFFFF;
	(pc) =	sbr.abs _section_cstart, $3  }
0xc4: {  	[dreg:$0x1] =	wrdreg $0xFFFFFFFF  }
0xc5: {  	_ =	task.clear_ibuf [dreg:s9], $0x2FFFF;
	_ =	strace $0x9FFFFFFF  }
0xc6: {  	(tm) =	ssettm $0x7FFFFFFF  }
0xc7: {  	_ =	shalt  }
tec
execute0_lowered:
.L_overlay_start_1:
0x0: {  	(tag) =	ssettag $0x1  }
0x1: {  	s1 =	rddreg [dreg:$0x0]  }
0x2: {  	s0 =	rddreg [dreg:$0x1]  }
0x3: {  	s2 =	rddreg [dreg:$0x2]  }
0x4: {  	s4 =	rddreg [dreg:$0x3];
	s3 =	simm.s32 $0x0  }
0x5: {  	s6 =	srdreg.scid;
	s9 =	stileid.u32;
	s18 =	simm.s32 $0x8  }
0x6: {  	s22 =	simm.s32 $0x1;
	s23 =	simm.s32 $0x50;
	s17 =	simm.s32 $0x0  }
0x7: {  	[smem:$0x7FF] =	sst s3;
	s5 =	sadd.s32 $0x600, s0;
	s7 =	sand.u32 $0x1, s6  }
0x8: {  	s6 =	sadd.s32 $0x5600, s0;
	s9 =	sshll.u32 s9, $0x1;
	s0 =	sadd.s32 $0x45600, s0  }
0x9: {  	_ =	strace $0x80000047;
	s8 =	ssub.s32 $0x2, s7;
	s7 =	sor.u32 s7, s9  }
0xa: {  	[dreg:$0x5] =	wrdreg s0;
	s26 =	sshrl.u32 s8, $0x1;
	s9 =	sshll.u32 s7, $0x6  }
0xb: {  	s28 =	smul.u32 $0x280, s7;
	s11 =	sshll.u32 s7, $0xD;
	s0 =	ssub.s32 s8, s26  }
0xc: {  	s8 =	sshll.u32 s7, $0x9;
	s9 =	sadd.s32 s1, s9;
	s29 =	sadd.s32 s6, s11  }
0xd: {  	s7 =	sshll.u32 s7, $0xE;
	[dreg:$0x6] =	wrdreg s9;
	s10 =	sor.u32 $0x20, s8  }
0xe: {  	s9 =	sadd.s32 s5, s28;
	[dreg:$0x8] =	wrdreg s29;
	s15 =	sadd.s32 s4, s7  }
0xf: {  	s16 =	smax.u32 s0, $0x1;
	s0 =	simm.s32 $0x6;
	s13 =	smul.u32 $0xA, s10  }
0x10: {  	s4 =	simm.s32 $0x7;
	s12 =	sshrl.u32 s10, $0x3;
	[dreg:$0x7] =	wrdreg s9  }
0x11: {  	v0 =	vimm.f32 $0.0e+00;
	vm0 =	vcmask $0x2700;
	s10 =	sshll.u32 s10, $0x4;
	s30 =	sadd.s32 s1, s12;
	s31 =	sshrl.u32 s13, $0x3  }
0x12: {  	v0 =	vsel vm0, $0x3F800000, v0;
	s14 =	sadd.s32 s6, s10;
	[dreg:$0x9] =	wrdreg s30;
	s13 =	sadd.s32 s5, s31  }
.LBB2_1:
0x13: {  	s7 =	rddreg [dreg:$0x5];
	s9 =	simm.s32 $0x3480  }
0x14: {  	[tilespmem:s9], [sflag:$0x8] =	stream.linear.gather [hbm4b:s7+s3], $0x80, $0x38;
	[tilespmem:$0x1B500] =	vst v63  }
0x15: {  	_ =	swait.ge [sflag:s18], $0x80  }
0x16: {  	[sflag:s18] =	ssyncset.done $0x0  }
0x17: {  	s30 =	rddreg [dreg:$0x6];
	[sflag:s18] =	ssyncadd.s32 $0xFFFFFF80  }
0x18: {  	v1 =	vld [tilespmem:$0x3480];
	[tilespmem:s3], [sflag:$0x1] =	stream.linear.gather [hbm4b:s30+s3], $0x20, $0x38  }
0x19: {  	s19 =	simm.s32 $0x80;
	s31 =	rddreg [dreg:$0x7]  }
0x1a: {  	[tilespmem:s19], [sflag:$0x1] =	stream.linear.gather [hbm4b:s31+s3], $0x140, $0x38;
	[tilespmem:$0x1B500] =	vst v63  }
0x1b: {  	s20 =	simm.s32 $0x480;
	s9 =	rddreg [dreg:$0x8]  }
0x1c: {  	[tilespmem:s20], [sflag:$0x1] =	stream.linear.gather [hbm4b:s9+s3], $0x1000, $0x38;
	[tilespmem:$0x1B500] =	vst v63  }
0x1d: {  	s11 =	simm.s32 $0x20;
	s10 =	rddreg [dreg:$0x9]  }
0x1e: {  	[tilespmem:s11], [sflag:$0x2] =	stream.linear.gather [hbm4b:s10+s3], $0x20, $0x38;
	[tilespmem:$0x1B500] =	vst v63  }
0x1f: {  	s12 =	simm.s32 $0x1C0  }
0x20: {  	[tilespmem:s12], [sflag:$0x2] =	stream.linear.gather [hbm4b:s13+s3], $0x140, $0x38;
	[tilespmem:$0x1B500] =	vst v63  }
0x21: {  	s21 =	simm.s32 $0x1480  }
0x22: {  	[tilespmem:s21], [sflag:$0x2] =	stream.linear.gather [hbm4b:s14+s3], $0x1000, $0x38;
	[tilespmem:$0x1B500] =	vst v63  }
0x23: {  	_ =	swait.ge [sflag:s22], $0x20  }
0x24: {  	[sflag:s22] =	ssyncset.done $0x0  }
0x25: {  	[sflag:s22] =	ssyncadd.s32 $0xFFFFFFE0  }
0x26: {  	_ =	swait.ge [sflag:s22], $0x140  }
0x27: {  	[sflag:s22] =	ssyncset.done $0x0  }
0x28: {  	[sflag:s22] =	ssyncadd.s32 $0xFFFFFEC0  }
0x29: {  	_ =	swait.ge [sflag:s22], $0x1000  }
0x2a: {  	[sflag:s22] =	ssyncset.done $0x0  }
0x2b: {  	s24 =	simm.s32 $0x3500;
	[sflag:s22] =	ssyncadd.s32 $0xFFFFF000  }
0x2c: {  	[tilespmem:s24], [sflag:$0x4] =	stream.indirect.gather [hbm4b:s2+s23], $0x80, s19, s23, $0xb8;
	[tilespmem:$0x1B500] =	vst v63  }
0x2d: {  	s25 =	simm.s32 $0xD0;
	s26 =	simm.s32 $0x5D00;
	s28 =	simm.s32 $0x120  }
0x2e: {  	[tilespmem:s26], [sflag:$0x4] =	stream.indirect.gather [hbm4b:s2+s23], $0x80, s25, s23, $0xb8;
	[tilespmem:$0x1B500] =	vst v63  }
0x2f: {  	s29 =	simm.s32 $0x8500;
	p0 =	por $0x0, $0x0;
	s30 =	simm.s32 $0x170  }
0x30: {  	[tilespmem:s29], [sflag:$0x4] =	stream.indirect.gather [hbm4b:s2+s23], $0x80, s28, s23, $0xb8;
	[tilespmem:$0x1B500] =	vst v63  }
0x31: {  	s31 =	simm.s32 $0xAD00;
	s21 =	simm.s32 $0x0;
	s24 =	simm.s32 $0x0  }
0x32: {  	[tilespmem:s31], [sflag:$0x4] =	stream.indirect.gather [hbm4b:s2+s23], $0x80, s30, s23, $0xb8;
	[tilespmem:$0x1B500] =	vst v63  }
.LBB2_2:
0x33: {  	s25 =	sadd.s32 $0x1, s24;
	p1 =	seq.s32 s24, $0xF  }
0x34: {  	s7 =	smul.u32 @!p1 $0xAB, s25;
	_ =	sdelay $0x1  }
0x35: {  	s7 =	sshrl.u32 @!p1 s7, $0x9  }
0x36: {  	s7 =	sand.u32 @!p1 $0x7F, s7  }
0x37: {  	s7 =	smul.u32 @!p1 $0x3, s7;
	_ =	sdelay $0x1  }
0x38: {  	s7 =	ssub.s32 @!p1 s25, s7  }
0x39: {  	s7 =	sand.u32 @!p1 $0xFF, s7  }
0x3a: {  	s10 =	sadd.s32 @!p1 $0x1, s7  }
0x3b: {  	_ =	swait.ge @!p1 [sflag:s10], $0x20  }
0x3c: {  	[sflag:s10] =	ssyncset.done @!p1 $0x0  }
0x3d: {  	s9 =	sand.u32 $0x1, s24;
	[sflag:s10] =	ssyncadd.s32 @!p1 $0xFFFFFFE0  }
0x3e: {  	s26 =	sxor.u32 @!p1 $0x1, s9;
	_ =	swait.ge @!p1 [sflag:s10], $0x140  }
0x3f: {  	s28 =	smul.u32 @!p1 $0x28000, s26;
	[sflag:s10] =	ssyncset.done @!p1 $0x0  }
0x40: {  	s7 =	smul.u32 @!p1 $0x500, s7;
	[sflag:s10] =	ssyncadd.s32 @!p1 $0xFFFFFEC0  }
0x41: {  	s30 =	simm.s32 @!p1 $0x50;
	s26 =	sor.u32 @!p1 $0x4, s26;
	_ =	swait.ge @!p1 [sflag:s10], $0x1000  }
0x42: {  	s28 =	sshrl.u32 @!p1 s28, $0x2;
	s7 =	sshrl.u32 @!p1 s7, $0x2;
	[sflag:s10] =	ssyncset.done @!p1 $0x0  }
0x43: {  	s29 =	sadd.s32 @!p1 $0x80, s7;
	[sflag:s10] =	ssyncadd.s32 @!p1 $0xFFFFF000;
	s10 =	sadd.s32 @!p1 $0x3500, s28  }
0x44: {  	[tilespmem:s10], [sflag:s26] =	stream.indirect.gather @!p1 [hbm4b:s2+s30], $0x80, s29, s30, $0xb8;
	[tilespmem:$0x1B500] =	vst v63  }
0x45: {  	s10 =	sadd.s32 @!p1 $0x5D00, s28;
	s29 =	sadd.s32 @!p1 $0xD0, s7  }
0x46: {  	[tilespmem:s10], [sflag:s26] =	stream.indirect.gather @!p1 [hbm4b:s2+s30], $0x80, s29, s30, $0xb8;
	[tilespmem:$0x1B500] =	vst v63  }
0x47: {  	p2 =	sgt.u32 s24, $0xD;
	s10 =	sadd.s32 @!p1 $0x8500, s28;
	s29 =	sadd.s32 @!p1 $0x120, s7  }
0x48: {  	[tilespmem:s10], [sflag:s26] =	stream.indirect.gather @!p1 [hbm4b:s2+s30], $0x80, s29, s30, $0xb8;
	[tilespmem:$0x1B500] =	vst v63  }
0x49: {  	s10 =	sadd.s32 @!p2 $0x2, s24  }
0x4a: {  	s28 =	sadd.s32 @!p1 $0xAD00, s28;
	s7 =	sadd.s32 @!p1 $0x170, s7;
	s29 =	smul.u32 @!p2 $0xAB, s10  }
0x4b: {  	[tilespmem:s28], [sflag:s26] =	stream.indirect.gather @!p1 [hbm4b:s2+s30], $0x80, s7, s30, $0xb8;
	[tilespmem:$0x1B500] =	vst v63  }
0x4c: {  	s7 =	sshrl.u32 @!p2 s29, $0x9  }
0x4d: {  	s7 =	sand.u32 @!p2 $0x7F, s7  }
0x4e: {  	s12 =	sor.u32 $0x4, s9;
	s7 =	smul.u32 @!p2 $0x3, s7  }
0x4f: {  	s31 =	simm.s32 @!p2 $0x0;
	_ =	swait.ge [sflag:s12], $0xA000  }
0x50: {  	[sflag:s12] =	ssyncset.done $0x0;
	s7 =	ssub.s32 @!p2 s10, s7;
	s10 =	sshll.u32 @!p2 s10, $0x5  }
0x51: {  	[sflag:s12] =	ssyncadd.s32 $0xFFFF6000;
	s7 =	sand.u32 @!p2 $0xFF, s7;
	s10 =	sadd.s32 @!p2 s8, s10  }
0x52: {  	s26 =	sadd.s32 @!p2 $0x1, s7;
	s29 =	sshrl.u32 @!p2 s10, $0x3;
	s30 =	smul.u32 @!p2 $0x500, s7  }
0x53: {  	s28 =	sshll.u32 @!p2 s7, $0x5;
	s11 =	smul.u32 @!p2 $0xA, s10;
	s29 =	sadd.s32 @!p2 s1, s29  }
0x54: {  	[tilespmem:s28], [sflag:s26] =	stream.linear.gather @!p2 [hbm4b:s29+s31], $0x20, $0x38;
	[tilespmem:$0x1B500] =	vst v63  }
0x55: {  	s7 =	sshll.u32 @!p2 s7, $0xC;
	s28 =	sshrl.u32 @!p2 s30, $0x2;
	s11 =	sshrl.u32 @!p2 s11, $0x3  }
0x56: {  	s10 =	sshll.u32 @!p2 s10, $0x4;
	s28 =	sadd.s32 @!p2 $0x80, s28;
	s11 =	sadd.s32 @!p2 s5, s11  }
0x57: {  	[tilespmem:s28], [sflag:s26] =	stream.linear.gather @!p2 [hbm4b:s11+s31], $0x140, $0x38;
	[tilespmem:$0x1B500] =	vst v63  }
0x58: {  	s7 =	sor.u32 @!p2 $0x480, s7;
	s10 =	sadd.s32 @!p2 s6, s10  }
0x59: {  	[tilespmem:s7], [sflag:s26] =	stream.linear.gather @!p2 [hbm4b:s10+s31], $0x1000, $0x38;
	[tilespmem:$0x1B500] =	vst v63  }
0x5a: {  	s28 =	simm.s32 $0x1;
	s10 =	smulhi.u32 $0xAAAAAAAB, s24  }
0x5b: {  	s28 =	simm.s32 @!p0 $0x0  }
0x5c: {  	p1 =	slt.u32 @!p2 s24, $0x2;
	s30 =	smul.u32 $0x28000, s28;
	s7 =	sshrl.u32 s10, $0x1  }
0x5d: {  	p1 =	por p2, !p1;
	s26 =	sor.u32 $0x6, s9;
	s11 =	smul.u32 $0xFFFFF100, s7  }
0x5e: {  	_ =	swait.ge @p1 [sflag:s26], $0x2000;
	s12 =	smul.u32 $0xFFFF4000, s7  }
0x5f: {  	s9 =	sshll.u32 s9, $0xD;
	[sflag:s26] =	ssyncset.done @p1 $0x0;
	s7 =	smul.u32 $0xFFFFFE80, s7  }
0x60: {  	[sflag:s26] =	ssyncadd.s32 @p1 $0xFFFFE000;
	s10 =	sshra.s32 s11, $0x2;
	s11 =	sshra.s32 s12, $0x2  }
0x61: {  	s7 =	sshra.s32 s7, $0x2;
	s12 =	sshrl.u32 s30, $0x2;
	s30 =	sadd.s32 $0x17500, s9  }
0x62: {  	s9 =	simm.s32 $0x0;
	s28 =	sadd.s32 s10, s19;
	s29 =	sadd.s32 s11, s20  }
0x63: {  	s31 =	sadd.s32 s7, s21;
	s7 =	sadd.s32 $0x3780, s12;
	s10 =	simm.s32 $0x0  }
.LBB2_3:
0x64: {  	v2 =	vld [tilespmem:s28+$0x0]  }
0x65: {  	v3 =	vld.msk [tilespmem:s31+$0x0 ss:$0x0], $0xffff;
	_ =	sdelay $0x3  }
0x66: {  	v5 =	vld [tilespmem:s29+$0x0]  }
0x67: {  	vm0 =	veq.s32 v2, v3  }
0x68: {  	v4 =	vnsel vm0, $0x0, v0  }
0x69: {  	v2 =	vsub.f32 $1.000000000e+00, v4;
	_ =	sdelay $0x1  }
0x6a: {  	v6 =	vld [tilespmem:s7+$0xFFFFFD80];
	v3 =	vmul.f32 v2, v5  }
0x6b: {  	v7 =	vld [tilespmem:s7+$0xFFFFFD90];
	v2 =	vmul.f32 v4, v5  }
0x6c: {  	v48 =	vld [tilespmem:s7+$0xFFFFFDA0];
	v8 =	vbroadcast v3, $0x0  }
0x6d: {  	v10 =	vld [tilespmem:s7+$0xFFFFFDB0];
	v9 =	vbroadcast v2, $0x0;
	v24 =	vbroadcast v3, $0x1  }
0x6e: {  	v12 =	vld [tilespmem:s7+$0xFFFFFDC0];
	v26 =	vbroadcast v2, $0x1;
	v34 =	vbroadcast v3, $0x2  }
0x6f: {  	v14 =	vld [tilespmem:s7+$0xFFFFFDD0];
	v35 =	vbroadcast v2, $0x2;
	v11 =	vmul.f32 v8, v6  }
0x70: {  	v16 =	vld [tilespmem:s7+$0xFFFFFDE0];
	v6 =	vmul.f32 v9, v6;
	v13 =	vmul.f32 v8, v7  }
0x71: {  	v19 =	vld [tilespmem:s7+$0xFFFFFDF0];
	v7 =	vmul.f32 v9, v7;
	v15 =	vmul.f32 v8, v48  }
0x72: {  	v21 =	vld [tilespmem:s7+$0xFFFFFE00];
	v5 =	vmul.f32 v9, v48;
	v17 =	vmul.f32 v8, v10  }
0x73: {  	v22 =	vld [tilespmem:s7+$0xFFFFFE10];
	v10 =	vmul.f32 v9, v10;
	v18 =	vmul.f32 v8, v12  }
0x74: {  	v25 =	vld [tilespmem:s7+$0xFFFFFE20];
	v12 =	vmul.f32 v12, v9;
	v20 =	vmul.f32 v14, v8  }
0x75: {  	v27 =	vld [tilespmem:s7+$0xFFFFFE30];
	v14 =	vmul.f32 v14, v9;
	v23 =	vmul.f32 v16, v8  }
0x76: {  	v28 =	vld [tilespmem:s7+$0xFFFFFE40];
	(v2sf) =	vpush v4, $0x0;
	v16 =	vmul.f32 v16, v9;
	v8 =	vmul.f32 v19, v8  }
0x77: {  	v51 =	vld [tilespmem:s7+$0xFFFFFE50];
	(v2sf) =	vpush v4, $0x1;
	v9 =	vmul.f32 v19, v9;
	v49 =	vmul.f32 v21, v24  }
0x78: {  	v53 =	vld [tilespmem:s7+$0xFFFFFE60];
	(v2sf) =	vpush v4, $0x2;
	v21 =	vmul.f32 v21, v26;
	v29 =	vmul.f32 v22, v24  }
0x79: {  	(v2sf) =	vpush v4, $0x3;
	v50 =	vmul.f32 v22, v26;
	v52 =	vmul.f32 v25, v24  }
0x7a: {  	v30 =	vld [tilespmem:s7+$0xFFFFFE70];
	(v2sf) =	vpush v4, $0x4;
	v54 =	vmul.f32 v25, v26;
	v55 =	vmul.f32 v27, v24  }
0x7b: {  	(v2sf) =	vpush v4, $0x5;
	v56 =	vmul.f32 v27, v26;
	v57 =	vmul.f32 v28, v24  }
0x7c: {  	v60 =	vld [tilespmem:s7+$0xFFFFFE80];
	v58 =	vmul.f32 v28, v26;
	v59 =	vmul.f32 v51, v24;
	(v2sf) =	vpush v4, $0x6  }
0x7d: {  	v61 =	vmul.f32 v51, v26;
	v62 =	vmul.f32 v53, v24;
	(v2sf) =	vpush v4, $0x7  }
0x7e: {  	v63 =	vld [tilespmem:s7+$0xFFFFFE90];
	v32 =	vmul.f32 v53, v26;
	v11 =	vadd.f32 $0.0e+00, v11;
	v6 =	vadd.f32 $0.0e+00, v6  }
0x7f: {  	v24 =	vmul.f32 v30, v24;
	v13 =	vadd.f32 $0.0e+00, v13;
	v7 =	vadd.f32 $0.0e+00, v7  }
0x80: {  	v33 =	vld [tilespmem:s7+$0xFFFFFEA0];
	v36 =	vmul.f32 v30, v26;
	v15 =	vadd.f32 $0.0e+00, v15;
	v5 =	vadd.f32 $0.0e+00, v5  }
0x81: {  	v38 =	vmul.f32 v60, v34;
	v17 =	vadd.f32 $0.0e+00, v17;
	v10 =	vadd.f32 $0.0e+00, v10  }
0x82: {  	v37 =	vld [tilespmem:s7+$0xFFFFFEB0];
	v25 =	vmul.f32 v60, v35;
	v18 =	vadd.f32 $0.0e+00, v18;
	v12 =	vadd.f32 $0.0e+00, v12  }
0x83: {  	v39 =	vld [tilespmem:s7+$0xFFFFFEC0];
	v40 =	vmul.f32 v63, v34;
	v20 =	vadd.f32 $0.0e+00, v20;
	v14 =	vadd.f32 $0.0e+00, v14  }
0x84: {  	v27 =	vmul.f32 v63, v35;
	v23 =	vadd.f32 $0.0e+00, v23;
	v16 =	vadd.f32 $0.0e+00, v16  }
0x85: {  	v41 =	vld [tilespmem:s7+$0xFFFFFED0];
	v42 =	vmul.f32 v33, v34;
	v8 =	vadd.f32 $0.0e+00, v8;
	v9 =	vadd.f32 $0.0e+00, v9  }
0x86: {  	v44 =	vld [tilespmem:s7+$0xFFFFFEE0];
	v43 =	vmul.f32 v33, v35;
	v11 =	vadd.f32 v49, v11;
	v6 =	vadd.f32 v21, v6  }
0x87: {  	v46 =	vld [tilespmem:s7+$0xFFFFFEF0];
	v45 =	vmul.f32 v37, v34;
	v13 =	vadd.f32 v29, v13;
	v7 =	vadd.f32 v50, v7  }
0x88: {  	v47 =	vmul.f32 v39, v34;
	v15 =	vadd.f32 v52, v15;
	v5 =	vadd.f32 v54, v5  }
0x89: {  	v26 =	vmul.f32 v39, v35;
	v17 =	vadd.f32 v55, v17;
	v10 =	vadd.f32 v56, v10  }
0x8a: {  	v48 =	vmul.f32 v41, v34;
	v18 =	vadd.f32 v57, v18;
	v12 =	vadd.f32 v58, v12  }
0x8b: {  	v51 =	vmul.f32 v44, v34;
	v20 =	vadd.f32 v59, v20;
	v14 =	vadd.f32 v61, v14  }
0x8c: {  	v19 =	vmul.f32 v46, v34;
	v34 =	vld [tilespmem:s7+$0xFFFFFF70];
	v22 =	vadd.f32 v62, v23;
	v16 =	vadd.f32 v32, v16  }
0x8d: {  	v53 =	vbroadcast v3, $0x3;
	v8 =	vadd.f32 v24, v8;
	v9 =	vadd.f32 v36, v9  }
0x8e: {  	v23 =	vmul.f32 v37, v35;
	v11 =	vadd.f32 v38, v11;
	v6 =	vadd.f32 v25, v6  }
0x8f: {  	v50 =	vmul.f32 v41, v35;
	v13 =	vadd.f32 v40, v13;
	v7 =	vadd.f32 v27, v7  }
0x90: {  	v49 =	vld [tilespmem:s7+$0xFFFFFF00];
	v55 =	vbroadcast v2, $0x3;
	v15 =	vadd.f32 v42, v15;
	v5 =	vadd.f32 v43, v5  }
0x91: {  	v52 =	vld [tilespmem:s7+$0xFFFFFF10];
	v21 =	vmul.f32 v34, v53;
	v17 =	vadd.f32 v45, v17;
	v10 =	vadd.f32 v23, v10  }
0x92: {  	v54 =	vld [tilespmem:s7+$0xFFFFFF20];
	v18 =	vadd.f32 v47, v18;
	v12 =	vadd.f32 v26, v12;
	v25 =	vmul.f32 v44, v35  }
0x93: {  	v57 =	vld [tilespmem:s7+$0xFFFFFF30];
	v20 =	vadd.f32 v48, v20;
	v27 =	vmul.f32 v46, v35;
	v42 =	vbroadcast v3, $0x4  }
0x94: {  	v59 =	vld [tilespmem:s7+$0xFFFFFF40];
	v14 =	vadd.f32 v50, v14;
	v28 =	vmul.f32 v34, v55;
	v44 =	vbroadcast v2, $0x4  }
0x95: {  	v61 =	vld [tilespmem:s7+$0xFFFFFF50];
	v22 =	vadd.f32 v51, v22;
	v34 =	vbroadcast v2, $0x5;
	v56 =	vmul.f32 v49, v53  }
0x96: {  	v8 =	vadd.f32 v19, v8;
	v58 =	vmul.f32 v49, v55;
	v60 =	vmul.f32 v52, v53  }
0x97: {  	v32 =	vld [tilespmem:s7+$0xFFFFFF60];
	v16 =	vadd.f32 v25, v16;
	v26 =	vmul.f32 v52, v55;
	v62 =	vmul.f32 v54, v53  }
0x98: {  	v9 =	vadd.f32 v27, v9;
	v63 =	vmul.f32 v54, v55;
	v33 =	vmul.f32 v57, v53  }
0x99: {  	v37 =	vld [tilespmem:s7+$0xFFFFFF80];
	v8 =	vadd.f32 v21, v8;
	v25 =	vmul.f32 v57, v55;
	v35 =	vmul.f32 v59, v53  }
0x9a: {  	v24 =	vmul.f32 v59, v55;
	v36 =	vmul.f32 v61, v53;
	s11 =	spop (v2sf);
	(v2sf) =	vpush v4, $0x8  }
0x9b: {  	v41 =	vld [tilespmem:s7+$0xFFFFFF90];
	v38 =	vmul.f32 v61, v55;
	v9 =	vadd.f32 v28, v9;
	s12 =	spop (v2sf);
	(v2sf) =	vpush v4, $0x9  }
0x9c: {  	v39 =	vmul.f32 v32, v53;
	v11 =	vadd.f32 v56, v11;
	v6 =	vadd.f32 v58, v6  }
0x9d: {  	v43 =	vld [tilespmem:s7+$0xFFFFFFA0];
	v40 =	vmul.f32 v32, v55;
	v13 =	vadd.f32 v60, v13;
	v7 =	vadd.f32 v26, v7  }
0x9e: {  	v46 =	vld [tilespmem:s7+$0xFFFFFFB0];
	v45 =	vmul.f32 v37, v42;
	v15 =	vadd.f32 v62, v15;
	v5 =	vadd.f32 v63, v5  }
0x9f: {  	v48 =	vld [tilespmem:s7+$0xFFFFFFC0];
	v47 =	vmul.f32 v37, v44;
	v17 =	vadd.f32 v33, v17;
	v10 =	vadd.f32 v25, v10  }
0xa0: {  	v49 =	vmul.f32 v41, v42;
	v18 =	vadd.f32 v35, v18;
	v12 =	vadd.f32 v24, v12  }
0xa1: {  	v50 =	vld [tilespmem:s7+$0xFFFFFFD0];
	v32 =	vbroadcast v3, $0x5;
	v19 =	vadd.f32 v36, v20;
	v14 =	vadd.f32 v38, v14  }
0xa2: {  	v20 =	vadd.f32 v39, v22;
	v26 =	vmul.f32 v41, v44;
	v51 =	vmul.f32 v43, v42  }
0xa3: {  	v16 =	vadd.f32 v40, v16;
	v52 =	vmul.f32 v43, v44;
	v54 =	vmul.f32 v46, v42  }
0xa4: {  	v53 =	vld [tilespmem:s7+$0xFFFFFFE0];
	v24 =	vmul.f32 v46, v44;
	v56 =	vmul.f32 v48, v42;
	v11 =	vadd.f32 v45, v11  }
0xa5: {  	v55 =	vld [tilespmem:s7+$0xFFFFFFF0];
	v25 =	vmul.f32 v48, v44;
	v6 =	vadd.f32 v47, v6;
	v13 =	vadd.f32 v49, v13  }
0xa6: {  	v57 =	vmul.f32 v50, v42;
	v58 =	vld [tilespmem:s7+$0x0];
	v7 =	vadd.f32 v26, v7;
	v15 =	vadd.f32 v51, v15  }
0xa7: {  	v59 =	vmul.f32 v50, v44;
	v62 =	vld [tilespmem:s7+$0x10];
	v5 =	vadd.f32 v52, v5;
	v17 =	vadd.f32 v54, v17  }
0xa8: {  	v33 =	vld [tilespmem:s7+$0x20];
	v19 =	vadd.f32 v57, v19;
	v54 =	vbroadcast v3, $0x6;
	v57 =	vbroadcast v2, $0x6  }
0xa9: {  	v36 =	vld [tilespmem:s7+$0x30];
	v10 =	vadd.f32 v24, v10;
	v60 =	vmul.f32 v53, v42;
	v61 =	vmul.f32 v53, v44  }
0xaa: {  	v38 =	vld [tilespmem:s7+$0x40];
	v18 =	vadd.f32 v56, v18;
	v63 =	vmul.f32 v55, v42;
	v27 =	vmul.f32 v55, v44  }
0xab: {  	v40 =	vld [tilespmem:s7+$0x50];
	v12 =	vadd.f32 v25, v12;
	v35 =	vmul.f32 v58, v32;
	v37 =	vmul.f32 v58, v34  }
0xac: {  	v43 =	vld [tilespmem:s7+$0x60];
	v14 =	vadd.f32 v59, v14;
	v39 =	vmul.f32 v62, v32;
	v26 =	vmul.f32 v62, v34  }
0xad: {  	v20 =	vadd.f32 v60, v20;
	v41 =	vmul.f32 v33, v32;
	v42 =	vmul.f32 v33, v34  }
0xae: {  	v48 =	vld [tilespmem:s7+$0x80];
	v16 =	vadd.f32 v61, v16;
	v44 =	vmul.f32 v36, v32;
	v25 =	vmul.f32 v36, v34  }
0xaf: {  	v8 =	vadd.f32 v63, v8;
	v46 =	vmul.f32 v38, v32;
	v24 =	vmul.f32 v38, v34  }
0xb0: {  	v9 =	vadd.f32 v27, v9;
	v47 =	vmul.f32 v40, v32;
	v49 =	vmul.f32 v40, v34  }
0xb1: {  	v45 =	vld [tilespmem:s7+$0x70];
	v50 =	vmul.f32 v43, v32;
	v11 =	vadd.f32 v35, v11;
	v6 =	vadd.f32 v37, v6  }
0xb2: {  	v52 =	vld [tilespmem:s7+$0x90];
	v51 =	vmul.f32 v43, v34;
	v13 =	vadd.f32 v39, v13;
	v7 =	vadd.f32 v26, v7  }
0xb3: {  	v58 =	vmul.f32 v48, v54;
	v15 =	vadd.f32 v41, v15;
	v5 =	vadd.f32 v42, v5  }
0xb4: {  	v55 =	vld [tilespmem:s7+$0xA0];
	v59 =	vmul.f32 v48, v57;
	v17 =	vadd.f32 v44, v17;
	v10 =	vadd.f32 v25, v10  }
0xb5: {  	v48 =	vbroadcast v2, $0x7;
	v18 =	vadd.f32 v46, v18;
	v12 =	vadd.f32 v24, v12  }
0xb6: {  	v60 =	vld [tilespmem:s7+$0xB0];
	v19 =	vadd.f32 v47, v19;
	v14 =	vadd.f32 v49, v14;
	v53 =	vmul.f32 v45, v32  }
0xb7: {  	v63 =	vld [tilespmem:s7+$0xC0];
	v20 =	vadd.f32 v50, v20;
	v56 =	vmul.f32 v45, v34;
	v61 =	vmul.f32 v52, v54  }
0xb8: {  	v33 =	vld [tilespmem:s7+$0xD0];
	v16 =	vadd.f32 v51, v16;
	v62 =	vmul.f32 v52, v57;
	v46 =	vbroadcast v3, $0x7  }
0xb9: {  	v43 =	vld [tilespmem:s7+$0x110];
	v32 =	vmul.f32 v55, v54;
	v8 =	vadd.f32 v53, v8;
	v9 =	vadd.f32 v56, v9  }
0xba: {  	v34 =	vmul.f32 v55, v57;
	v11 =	vadd.f32 v58, v11;
	v6 =	vadd.f32 v59, v6  }
0xbb: {  	v35 =	vld [tilespmem:s7+$0xE0];
	v13 =	vadd.f32 v61, v13;
	v7 =	vadd.f32 v62, v7;
	v36 =	vmul.f32 v60, v54  }
0xbc: {  	v37 =	vld [tilespmem:s7+$0xF0];
	v15 =	vadd.f32 v32, v15;
	v24 =	vmul.f32 v60, v57;
	v38 =	vmul.f32 v63, v54  }
0xbd: {  	v41 =	vld [tilespmem:s7+$0x100];
	v5 =	vadd.f32 v34, v5;
	v26 =	vmul.f32 v63, v57;
	v40 =	vmul.f32 v33, v54  }
0xbe: {  	v45 =	vld [tilespmem:s7+$0x120];
	v42 =	vmul.f32 v33, v57;
	v53 =	vmul.f32 v43, v46;
	v39 =	vadd.f32 v36, v17  }
0xbf: {  	s11 =	sadd.f32 s12, s11;
	v49 =	vld [tilespmem:s7+$0x130];
	v55 =	vmul.f32 v43, v48;
	v10 =	vadd.f32 v24, v10;
	v18 =	vadd.f32 v38, v18  }
0xc0: {  	s12 =	spop (v2sf);
	v51 =	vld [tilespmem:s7+$0x140];
	v12 =	vadd.f32 v26, v12;
	v44 =	vmul.f32 v35, v54;
	v22 =	vmul.f32 v35, v57  }
0xc1: {  	s11 =	sadd.f32 s11, s12;
	v17 =	vadd.f32 v40, v19;
	v23 =	vmul.f32 v37, v54;
	v47 =	vmul.f32 v37, v57  }
0xc2: {  	s12 =	spop (v2sf);
	v14 =	vadd.f32 v42, v14;
	v50 =	vmul.f32 v41, v46;
	v52 =	vmul.f32 v41, v48  }
0xc3: {  	s11 =	sadd.f32 s11, s12;
	v56 =	vmul.f32 v45, v46;
	v13 =	vadd.f32 v53, v13;
	v57 =	vmul.f32 v45, v48  }
0xc4: {  	s12 =	spop (v2sf);
	v7 =	vadd.f32 v55, v7;
	v59 =	vmul.f32 v49, v46;
	v61 =	vmul.f32 v49, v48  }
0xc5: {  	s11 =	sadd.f32 s11, s12;
	v58 =	vld [tilespmem:s7+$0x160];
	v62 =	vmul.f32 v51, v46;
	v63 =	vmul.f32 v51, v48;
	v19 =	vadd.f32 v44, v20  }
0xc6: {  	s12 =	spop (v2sf);
	v60 =	vld [tilespmem:s7+$0x170];
	v37 =	vbroadcast v3, $0x8;
	v16 =	vadd.f32 v22, v16;
	v8 =	vadd.f32 v23, v8  }
0xc7: {  	s11 =	sadd.f32 s11, s12;
	v32 =	vld [tilespmem:s7+$0x180];
	v38 =	vbroadcast v2, $0x8;
	v9 =	vadd.f32 v47, v9;
	v11 =	vadd.f32 v50, v11  }
0xc8: {  	s12 =	spop (v2sf);
	v34 =	vld [tilespmem:s7+$0x190];
	v3 =	vbroadcast v3, $0x9;
	v6 =	vadd.f32 v52, v6;
	v15 =	vadd.f32 v56, v15  }
0xc9: {  	s11 =	sadd.f32 s11, s12;
	v2 =	vbroadcast v2, $0x9;
	v5 =	vadd.f32 v57, v5;
	v4 =	vadd.f32 v59, v39  }
0xca: {  	s12 =	spop (v2sf);
	v54 =	vld [tilespmem:s7+$0x150];
	v10 =	vadd.f32 v61, v10;
	v33 =	vmul.f32 v58, v46;
	v35 =	vmul.f32 v58, v48  }
0xcb: {  	s11 =	sadd.f32 s11, s12;
	v18 =	vadd.f32 v62, v18;
	v36 =	vmul.f32 v60, v46;
	v40 =	vmul.f32 v60, v48  }
0xcc: {  	v41 =	vld [tilespmem:s7+$0x1B0];
	s12 =	spop (v2sf);
	v12 =	vadd.f32 v63, v12;
	v42 =	vmul.f32 v32, v37;
	v43 =	vmul.f32 v32, v38  }
0xcd: {  	s11 =	sadd.f32 s11, s12;
	v39 =	vld [tilespmem:s7+$0x1A0];
	v45 =	vmul.f32 v34, v37;
	v19 =	vadd.f32 v33, v19;
	v16 =	vadd.f32 v35, v16  }
0xce: {  	s12 =	spop (v2sf);
	v47 =	vld [tilespmem:s7+$0x1D0];
	v23 =	vmul.f32 v34, v38;
	v8 =	vadd.f32 v36, v8;
	v9 =	vadd.f32 v40, v9  }
0xcf: {  	v52 =	vld [tilespmem:s7+$0x1E0];
	s11 =	sadd.f32 s11, s12;
	v30 =	vmul.f32 v54, v46;
	v11 =	vadd.f32 v42, v11;
	v6 =	vadd.f32 v43, v6  }
0xd0: {  	v57 =	vld [tilespmem:s7+$0x200];
	v31 =	vmul.f32 v54, v48;
	v13 =	vadd.f32 v45, v13;
	v7 =	vadd.f32 v23, v7  }
0xd1: {  	v63 =	vld [tilespmem:s7+$0x220];
	v51 =	vmul.f32 v41, v37;
	v53 =	vmul.f32 v41, v38;
	v44 =	vmov s11  }
0xd2: {  	v60 =	vld [tilespmem:s7+$0x210];
	v17 =	vadd.f32 v30, v17;
	v48 =	vmul.f32 v39, v37;
	v50 =	vmul.f32 v39, v38  }
0xd3: {  	v33 =	vld [tilespmem:s7+$0x230];
	v14 =	vadd.f32 v31, v14;
	v58 =	vmul.f32 v47, v37;
	v59 =	vmul.f32 v47, v38  }
0xd4: {  	v46 =	vld [tilespmem:s7+$0x1C0];
	v27 =	vsub.f32 $1.000000000e+01, v44;
	v61 =	vmul.f32 v52, v37;
	v62 =	vmul.f32 v52, v38  }
0xd5: {  	v54 =	vld [tilespmem:s7+$0x1F0];
	v4 =	vadd.f32 v51, v4;
	v31 =	vmul.f32 v57, v3;
	v32 =	vmul.f32 v57, v2  }
0xd6: {  	v10 =	vadd.f32 v53, v10;
	v39 =	vmul.f32 v63, v3;
	v41 =	vmul.f32 v63, v2  }
0xd7: {  	v34 =	vmul.f32 v60, v3;
	v36 =	vmul.f32 v60, v2;
	v15 =	vadd.f32 v48, v15  }
0xd8: {  	v35 =	vld [tilespmem:s7+$0x240];
	v49 =	vbroadcast v27, $0x0;
	v5 =	vadd.f32 v50, v5;
	v17 =	vadd.f32 v58, v17  }
0xd9: {  	v40 =	vld [tilespmem:s7+$0x260];
	v14 =	vadd.f32 v59, v14;
	v44 =	vmul.f32 v33, v2;
	v55 =	vmul.f32 v46, v37  }
0xda: {  	v6 =	vadd.f32 v32, v6;
	v56 =	vmul.f32 v46, v38;
	v30 =	vmul.f32 v54, v37;
	v37 =	vld [tilespmem:s7+$0x250]  }
0xdb: {  	v42 =	vld [tilespmem:s7+$0x270];
	s11 =	sand.u32 $0x1800, s10;
	v16 =	vadd.f32 v62, v16;
	v21 =	vmul.f32 v54, v38;
	(erf) = vrcp.f32 v49  }
0xdc: {  	s12 =	sand.u32 $0x380, s9;
	s11 =	sadd.s32 s11, s30;
	v7 =	vadd.f32 v36, v7;
	v6 =	vmul.f32 v6, v1;
	v5 =	vadd.f32 v41, v5  }
0xdd: {  	s11 =	sadd.s32 s12, s11;
	v47 =	vmul.f32 v35, v2;
	v12 =	vadd.f32 v56, v12;
	v9 =	vadd.f32 v21, v9  }
0xde: {  	v7 =	vmul.f32 v7, v1;
	v56 =	vmul.f32 v40, v2;
	[tilespmem:s11+$0x400] =	vst v6;
	v6 =	vadd.f32 v44, v10  }
0xdf: {  	v5 =	vmul.f32 v5, v1;
	v10 =	vadd.f32 v47, v12;
	v50 =	vmul.f32 v37, v2  }
0xe0: {  	[tilespmem:s11+$0x410] =	vst v7;
	v60 =	vadd.f32 v56, v16;
	v51 =	vmul.f32 v6, v1;
	v2 =	vmul.f32 v42, v2  }
0xe1: {  	v18 =	vadd.f32 v55, v18;
	[tilespmem:s11+$0x420] =	vst v5;
	v57 =	vmul.f32 v10, v1;
	v55 =	vadd.f32 v50, v14  }
0xe2: {  	v19 =	vadd.f32 v61, v19;
	v63 =	vmul.f32 v60, v1;
	[tilespmem:s11+$0x430] =	vst v51;
	v2 =	vadd.f32 v2, v9  }
0xe3: {  	v11 =	vadd.f32 v31, v11;
	v43 =	vmul.f32 v33, v3;
	[tilespmem:s11+$0x440] =	vst v57;
	v61 =	vmul.f32 v55, v1  }
0xe4: {  	v45 =	vmul.f32 v35, v3;
	v13 =	vadd.f32 v34, v13;
	[tilespmem:s11+$0x460] =	vst v63;
	v2 =	vmul.f32 v2, v1;
	v38 =	vpop (erf)  }
0xe5: {  	v53 =	vmul.f32 v40, v3;
	v15 =	vadd.f32 v39, v15;
	v11 =	vmul.f32 v11, v38;
	[tilespmem:s11+$0x450] =	vst v61  }
0xe6: {  	v4 =	vadd.f32 v43, v4;
	v49 =	vmul.f32 v37, v3;
	v13 =	vmul.f32 v13, v38;
	[tilespmem:s11+$0x470] =	vst v2  }
0xe7: {  	v8 =	vadd.f32 v30, v8;
	v48 =	vadd.f32 v45, v18;
	v46 =	vmul.f32 v15, v38;
	[tilespmem:s11+$0x0] =	vst v11  }
0xe8: {  	v3 =	vmul.f32 v42, v3;
	v52 =	vadd.f32 v49, v17;
	v4 =	vmul.f32 v4, v38;
	[tilespmem:s11+$0x10] =	vst v13  }
0xe9: {  	p1 =	sne.s32 s9, $0xF80;
	v58 =	vadd.f32 v53, v19;
	v54 =	vmul.f32 v48, v38;
	[tilespmem:s11+$0x20] =	vst v46  }
.Ltmp0:
0xea: {  	v3 =	vadd.f32 v3, v8;
	v59 =	vmul.f32 v52, v38;
	[tilespmem:s11+$0x30] =	vst v4;
	(pc) =	sbr.rel @p1 .LBB2_3-.Ltmp0, $4  }
0xeb: {  	v62 =	vmul.f32 v58, v38;
	[tilespmem:s11+$0x40] =	vst v54  }
0xec: {  	v3 =	vmul.f32 v3, v38;
	[tilespmem:s11+$0x50] =	vst v59  }
0xed: {  	s28 =	sadd.s32 $0xA, s28;
	s29 =	sadd.s32 $0x80, s29;
	s31 =	sadd.s32 $0x1, s31;
	[tilespmem:s11+$0x60] =	vst v62  }
0xee: {  	s9 =	sadd.s32 $0x80, s9;
	s10 =	sadd.s32 $0x100, s10;
	s7 =	sadd.s32 $0x500, s7;
	[tilespmem:s11+$0x70] =	vst v3  }
0xef: {  	p1 =	sne.s32 s25, $0x10  }
.Ltmp1:
0xf0: {  	_ = 	snop;
	(pc) =	sbr.rel @p1 .LBB2_2-.Ltmp1, $4  }
0xf1: {  	s7 =	sshll.u32 s24, $0xA  }
0xf2: {  	s19 =	sadd.s32 $0x140, s19;
	s20 =	sadd.s32 $0x1000, s20;
	s21 =	sadd.s32 $0x20, s21  }
0xf3: {  	p0 =	por !p0, !p0;
	s24 =	smov.u32 s25;
	s7 =	sadd.s32 s7, s15  }
0xf4: {  	[hbm4b:s7+s3] =	stream.linear.scatter [tilespmem:s30], [sflag:s26], $0x2000, $0x38;
	[tilespmem:$0x1B500] =	vst v63  }
0xf5: {  	s17 =	sadd.s32 $0x1, s17  }
0xf6: {  	_ =	swait.ge [sflag:s0], $0x2000;
	p0 =	sne.s32 s17, s16  }
.Ltmp2:
0xf7: {  	[sflag:s0] =	ssyncset.done $0x0;
	(pc) =	sbr.rel @p0 .LBB2_1-.Ltmp2, $4  }
0xf8: {  	[sflag:s0] =	ssyncadd.s32 $0xFFFFE000  }
0xf9: {  	_ =	swait.ge [sflag:s4], $0x2000  }
0xfa: {  	[sflag:s4] =	ssyncset.done $0x0  }
0xfb: {  	[sflag:s4] =	ssyncadd.s32 $0xFFFFE000  }
0xfc: {  	_ =	sfence.sel $0x180000  }
0xfd: {  	[bflag:$0x0] =	sbarrier.arrive $0xFFFF  }
0xfe: {  	_ =	strace $0x90000047  }
0xff: {  	s0 =	stileid.u32;
	[bflag:$0x2] =	sbarrier.arrive $0xFFFF  }
0x100: {  	p0 =	sne.s32 s0, $0x0;
	s0 =	rddreg [dreg:$0x4]  }
0x101: {  	s0 =	sadd.s32 @!p0 $0x100000, s0  }
0x102: {  	[sflag:s0] =	ssyncadd.tile.s32 @!p0 $0x1;
	_ =	shalt  }
.Lfunc_end2:
_tile_overlayer_lowered:
.L_overlay_start_2:
0x103: {  	(tag) =	ssettag $0x2  }
0x104: {  	s0 =	rddreg [dreg:$0x0];
	s2 =	stileid.u32  }
0x105: {  	s1 =	rddreg [dreg:$0x1];
	p0 =	sne.s32 s2, $0x0  }
0x106: {  	s3 =	rddreg [dreg:$0x2];
	[bflag:$0x3] =	sbarrier.arrive $0xFFFF;
	s2 =	simm.s32 @!p0 $0x1C08  }
0x107: {  	[timem:s3], [sflag:s2] =	dma.local @!p0 [hbm:s0], s1  }
0x108: {  	s0 =	simm.s32 @!p0 $0x8  }
0x109: {  	_ =	swait.ge @!p0 [sflag:s0], s1  }
0x10a: {  	s1 =	ssub.s32 @!p0 $0x0, s1;
	[sflag:s0] =	ssyncset.done @!p0 $0x0  }
0x10b: {  	[sflag:s0] =	ssyncadd.s32 @!p0 s1  }
0x10c: {  	[bflag:$0x3] =	sbarrier.arrive $0xFFFF  }
0x10d: {  	_ =	shalt  }

</sc_bundles>
